<compile_context>
chip_gen: v7x
topology: tpu7x:2x2x1
jax: 0.10.2.dev20260603
libtpu: 0.0.44.dev20260713+nightly
codegen_flags: <defaults>
</compile_context>

<pallas_src>
import functools

import jax
import jax.numpy as jnp
from jax import lax
from jax.experimental import pallas as pl
from jax.experimental.pallas import tpu as pltpu
from jax.experimental.pallas import tpu_sc as plsc

N = 10000
F_IN = 256
H = 64
E = 160000

NC = 2
NS = 16
NW = NC * NS
EPW = E // NW
CH = 125
NCHUNK = EPW // CH
RPT = 624
TAIL = N - NS * RPT
DEGW = 16

_sc_mesh = plsc.VectorSubcoreMesh(
    core_axis_name="c", subcore_axis_name="s", num_cores=NC, num_subcores=NS)
_sc_params = pltpu.CompilerParams(use_tc_tiling_on_sc=False)


@functools.partial(
    pl.kernel,
    mesh=_sc_mesh,
    out_type=jax.ShapeDtypeStruct((NC, N, DEGW), jnp.float32),
    compiler_params=_sc_params,
    scratch_types=[
        pltpu.VMEM((NCHUNK, CH), jnp.int32),
        pltpu.VMEM((CH, DEGW), jnp.float32),
        pltpu.VMEM_SHARED((N, DEGW), jnp.float32),
    ],
)
def _sc_degree(dst_hbm, ones_hbm, zeros_hbm, out_hbm, dst_v, ones_v, deg_sh):
    cid = lax.axis_index("c")
    sid = lax.axis_index("s")
    wid = sid * NC + cid
    pltpu.sync_copy(dst_hbm.at[wid], dst_v)
    pltpu.sync_copy(ones_hbm, ones_v)
    pltpu.sync_copy(zeros_hbm, deg_sh.at[pl.ds(sid * RPT, RPT)])

    @pl.when(sid == 0)
    def _():
        pltpu.sync_copy(zeros_hbm.at[pl.ds(0, TAIL)],
                        deg_sh.at[pl.ds(NS * RPT, TAIL)])

    plsc.subcore_barrier()

    def body(j, carry):
        pltpu.sync_copy(ones_v, deg_sh.at[dst_v.at[j]], add=True)
        return carry

    lax.fori_loop(0, NCHUNK, body, 0)
    plsc.subcore_barrier()
    pltpu.sync_copy(deg_sh.at[pl.ds(sid * RPT, RPT)],
                    out_hbm.at[cid, pl.ds(sid * RPT, RPT)])

    @pl.when(sid == 0)
    def _():
        pltpu.sync_copy(deg_sh.at[pl.ds(NS * RPT, TAIL)],
                        out_hbm.at[cid, pl.ds(NS * RPT, TAIL)])


@functools.partial(
    pl.kernel,
    mesh=_sc_mesh,
    out_type=jax.ShapeDtypeStruct((NC, N, H), jnp.float32),
    compiler_params=_sc_params,
    scratch_types=[
        pltpu.VMEM((NCHUNK, CH), jnp.int32),
        pltpu.VMEM((NCHUNK, CH), jnp.int32),
        pltpu.VMEM((CH, H), jnp.float32),
        pltpu.VMEM_SHARED((N, H), jnp.float32),
        pltpu.SemaphoreType.DMA,
    ],
)
def _sc_aggregate(src_hbm, dst_hbm, y_hbm, zeros_hbm, out_hbm,
                  src_v, dst_v, rows_v, agg_sh, sem):
    cid = lax.axis_index("c")
    sid = lax.axis_index("s")
    wid = sid * NC + cid
    pltpu.sync_copy(src_hbm.at[wid], src_v)
    pltpu.sync_copy(dst_hbm.at[wid], dst_v)
    pltpu.sync_copy(zeros_hbm, agg_sh.at[pl.ds(sid * RPT, RPT)])

    @pl.when(sid == 0)
    def _():
        pltpu.sync_copy(zeros_hbm.at[pl.ds(0, TAIL)],
                        agg_sh.at[pl.ds(NS * RPT, TAIL)])

    plsc.subcore_barrier()

    def body(j, carry):
        pltpu.async_copy(y_hbm.at[src_v.at[j]], rows_v, sem).wait()
        pltpu.sync_copy(rows_v, agg_sh.at[dst_v.at[j]], add=True)
        return carry

    lax.fori_loop(0, NCHUNK, body, 0)
    plsc.subcore_barrier()
    pltpu.sync_copy(agg_sh.at[pl.ds(sid * RPT, RPT)],
                    out_hbm.at[cid, pl.ds(sid * RPT, RPT)])

    @pl.when(sid == 0)
    def _():
        pltpu.sync_copy(agg_sh.at[pl.ds(NS * RPT, TAIL)],
                        out_hbm.at[cid, pl.ds(NS * RPT, TAIL)])


BN = 1000


def _dinv_block(deg_ref):
    deg = deg_ref[0, :, 0:1] + deg_ref[1, :, 0:1] + 1.0
    return lax.rsqrt(deg)


def _tc_scale1_body(deg_ref, x_ref, w_ref, y_ref):
    dinv = _dinv_block(deg_ref)
    xw = jnp.dot(x_ref[...], w_ref[...], preferred_element_type=jnp.float32)
    y_ref[...] = xw * dinv


def _tc_layer2_body(deg_ref, agg_ref, y1_ref, b_ref, w_ref, y2_ref):
    dinv = _dinv_block(deg_ref)
    h = agg_ref[0] + agg_ref[1] + y1_ref[...]
    h = jnp.maximum(h * dinv + b_ref[...], 0.0)
    y2_ref[...] = jnp.dot(h, w_ref[...],
                          preferred_element_type=jnp.float32) * dinv


def _tc_h2_body(deg_ref, agg_ref, y2_ref, b_ref, h_ref):
    dinv = _dinv_block(deg_ref)
    h = agg_ref[0] + agg_ref[1] + y2_ref[...]
    h_ref[...] = jnp.maximum(h * dinv + b_ref[...], 0.0)


BK = 16000
NKB = (N * H) // BK


def _tc_head_body(h_ref, w1_ref, b1_ref, w2_ref, b2_ref, w3_ref, b3_ref,
                  out_ref, acc_ref):
    k = pl.program_id(0)

    @pl.when(k == 0)
    def _():
        acc_ref[...] = jnp.zeros_like(acc_ref)

    acc_ref[...] += jnp.dot(h_ref[...], w1_ref[...],
                            preferred_element_type=jnp.float32)

    @pl.when(k == NKB - 1)
    def _():
        z1 = jnp.maximum(acc_ref[...] + b1_ref[...], 0.0)
        z2 = jnp.maximum(
            jnp.dot(z1, w2_ref[...], preferred_element_type=jnp.float32)
            + b2_ref[...], 0.0)
        out_ref[...] = jnp.dot(
            z2, w3_ref[...], preferred_element_type=jnp.float32,
            precision=lax.Precision.HIGHEST) + b3_ref[...]


def kernel(x, edge_index, W1, b1, W2, b2, fW1, fb1, fW2, fb2, fW3, fb3):
    f32 = jnp.float32
    src = edge_index[0].reshape(NW, NCHUNK, CH)
    dst = edge_index[1].reshape(NW, NCHUNK, CH)
    zeros_h = jnp.zeros((RPT, H), f32)
    zeros_d = jnp.zeros((RPT, DEGW), f32)
    ones_d = jnp.ones((CH, DEGW), f32)

    deg_parts = _sc_degree(dst, ones_d, zeros_d)

    grid_n = N // BN
    deg_spec = pl.BlockSpec((NC, BN, DEGW), lambda i: (0, i, 0))
    row_h = pl.BlockSpec((BN, H), lambda i: (i, 0))
    agg_spec = pl.BlockSpec((NC, BN, H), lambda i: (0, i, 0))
    full = lambda *shape: pl.BlockSpec(shape, lambda i: (0,) * len(shape))

    y1 = pl.pallas_call(
        _tc_scale1_body,
        grid=(grid_n,),
        in_specs=[deg_spec,
                  pl.BlockSpec((BN, F_IN), lambda i: (i, 0)),
                  full(F_IN, H)],
        out_specs=row_h,
        out_shape=jax.ShapeDtypeStruct((N, H), f32),
    )(deg_parts, x, W1)

    agg1 = _sc_aggregate(src, dst, y1, zeros_h)

    y2 = pl.pallas_call(
        _tc_layer2_body,
        grid=(grid_n,),
        in_specs=[deg_spec, agg_spec, row_h, full(1, H), full(H, H)],
        out_specs=row_h,
        out_shape=jax.ShapeDtypeStruct((N, H), f32),
    )(deg_parts, agg1, y1, b1.reshape(1, H), W2)

    agg2 = _sc_aggregate(src, dst, y2, zeros_h)

    h2 = pl.pallas_call(
        _tc_h2_body,
        grid=(grid_n,),
        in_specs=[deg_spec, agg_spec, row_h, full(1, H)],
        out_specs=row_h,
        out_shape=jax.ShapeDtypeStruct((N, H), f32),
    )(deg_parts, agg2, y2, b2.reshape(1, H))

    out = pl.pallas_call(
        _tc_head_body,
        grid=(NKB,),
        in_specs=[pl.BlockSpec((1, BK), lambda k: (0, k)),
                  pl.BlockSpec((BK, 128), lambda k: (k, 0)),
                  full(1, 128), full(128, 64), full(1, 64),
                  full(64, 1), full(1, 1)],
        out_specs=pl.BlockSpec((1, 1), lambda k: (0, 0)),
        out_shape=jax.ShapeDtypeStruct((1, 1), f32),
        scratch_shapes=[pltpu.VMEM((1, 128), f32)],
        compiler_params=pltpu.CompilerParams(
            dimension_semantics=("arbitrary",)),
    )(h2.reshape(1, N * H), fW1, fb1.reshape(1, 128), fW2,
      fb2.reshape(1, 64), fW3, fb3.reshape(1, 1))

    return out

# --- scband reference (transcript-rebuilt; emitter-appended) ---
"""Pipeline reference for scband-gnn-fcnn-regressor-6313601925174 (READ-ONLY COPY).

The authoritative reference and input builder live on the scoring server;
editing this copy changes nothing except your own understanding.
"""

import jax, jax.numpy as jnp
import numpy as np

N = 10000
F_IN = 256
H = 64
E = 160000
OUT = 1

def setup_inputs(seed: int = 0) -> dict:
    key = jax.random.key(seed)
    ks = jax.random.split(key, 12)
    x = jax.random.normal(ks[0], (N, F_IN), dtype=jnp.float32)
    edge_index = jax.random.randint(ks[1], (2, E), 0, N, dtype=jnp.int32)
    W1 = jax.random.normal(ks[2], (F_IN, H), dtype=jnp.float32) / np.sqrt(F_IN)
    b1 = jnp.zeros((H,), dtype=jnp.float32)
    W2 = jax.random.normal(ks[3], (H, H), dtype=jnp.float32) / np.sqrt(H)
    b2 = jnp.zeros((H,), dtype=jnp.float32)
    fW1 = jax.random.normal(ks[4], (N * H, 128), dtype=jnp.float32) / np.sqrt(N * H)
    fb1 = jnp.zeros((128,), dtype=jnp.float32)
    fW2 = jax.random.normal(ks[5], (128, 64), dtype=jnp.float32) / np.sqrt(128)
    fb2 = jnp.zeros((64,), dtype=jnp.float32)
    fW3 = jax.random.normal(ks[6], (64, OUT), dtype=jnp.float32) / np.sqrt(64)
    fb3 = jnp.zeros((OUT,), dtype=jnp.float32)
    return {"x": x, "edge_index": edge_index, "W1": W1, "b1": b1, "W2": W2, "b2": b2,
            "fW1": fW1, "fb1": fb1, "fW2": fW2, "fb2": fb2, "fW3": fW3, "fb3": fb3}

def gcn_conv(x, edge_index, W, b):
    n = x.shape[0]
    loop = jnp.arange(n, dtype=edge_index.dtype)
    src = jnp.concatenate([edge_index[0], loop])
    dst = jnp.concatenate([edge_index[1], loop])
    deg = jnp.zeros((n,), dtype=x.dtype).at[dst].add(1.0)
    dinv = jnp.where(deg > 0, 1.0 / jnp.sqrt(deg), 0.0)
    norm = dinv[src] * dinv[dst]
    xw = x @ W
    msg = xw[src] * norm[:, None]
    out = jnp.zeros((n, W.shape[1]), dtype=x.dtype).at[dst].add(msg)
    return out + b

def reference(x, edge_index, W1, b1, W2, b2, fW1, fb1, fW2, fb2, fW3, fb3):
    h = jax.nn.relu(gcn_conv(x, edge_index, W1, b1))
    h = jax.nn.relu(gcn_conv(h, edge_index, W2, b2))
    h = h.reshape(1, -1)
    h = jax.nn.relu(h @ fW1 + fb1)
    h = jax.nn.relu(h @ fW2 + fb2)
    return h @ fW3 + fb3

if __name__ == "__main__":
    import jax
    _d = setup_inputs()
    print(jax.jit(kernel)(*tuple(_d.values())))

</pallas_src>

<mosaic_0001>
#map = affine_map<(d0, d1) -> (0, 0, 0)>
#map1 = affine_map<(d0, d1) -> (0, 0)>
module attributes {stable_mosaic.version = 14 : i64} {
  func.func @_sc_degree(%arg0: i32, %arg1: i32, %arg2: memref<32x40x125xi32, #tpu.memory_space<hbm>>, %arg3: memref<125x16xf32, #tpu.memory_space<hbm>>, %arg4: memref<624x16xf32, #tpu.memory_space<hbm>>, %arg5: memref<2x10000x16xf32, #tpu.memory_space<hbm>>, %arg6: memref<40x125xi32, #tpu.memory_space<vmem>>, %arg7: memref<125x16xf32, #tpu.memory_space<vmem>>, %arg8: memref<10000x16xf32, #tpu.memory_space<vmem_shared>>) attributes {dimension_semantics = [#tpu.dimension_semantics<core_parallel>, #tpu.dimension_semantics<subcore_parallel>], iteration_bounds = array<i64: 2, 16>, scalar_prefetch = 0 : i64, scratch_operands = 3 : i64, tpu.core_type = #tpu.core_type<sc_vector_subcore>, window_params = [{transform_indices = #map}, {transform_indices = #map1}, {transform_indices = #map1}, {transform_indices = #map}]} {
    %mul3A = arith.constant 2 : i32
    %mul3A_0 = arith.muli %arg1, %mul3A : i32
    %add3A = arith.addi %mul3A_0, %arg0 : i32
    "tpu.region"() ({
      %run_scoped3A = tpu.sem_alloc : memref<!tpu.dma_semaphore, #tpu.memory_space<semaphore_mem>>
      %dma_start3A = arith.constant 0 : i32
      %dma_start3A_20 = arith.constant 0 : i32
      %dma_start3A_21 = tpu.memref_slice %arg2[%add3A, %dma_start3A, %dma_start3A_20] : memref<32x40x125xi32, #tpu.memory_space<hbm>> -> memref<1x40x125xi32, #tpu.memory_space<hbm>>
      %dma_start3A_22 = tpu.memref_squeeze %dma_start3A_21 : memref<1x40x125xi32, #tpu.memory_space<hbm>> -> memref<40x125xi32, #tpu.memory_space<hbm>>
      %dma_start3A_23 = arith.constant 0 : i32
      %dma_start3A_24 = arith.constant 0 : i32
      %dma_start3A_25 = tpu.memref_slice %arg2[%add3A, %dma_start3A_23, %dma_start3A_24] : memref<32x40x125xi32, #tpu.memory_space<hbm>> -> memref<1x40x125xi32, #tpu.memory_space<hbm>>
      %dma_start3A_26 = tpu.memref_squeeze %dma_start3A_25 : memref<1x40x125xi32, #tpu.memory_space<hbm>> -> memref<40x125xi32, #tpu.memory_space<hbm>>
      tpu.enqueue_dma source(%dma_start3A_26 : memref<40x125xi32, #tpu.memory_space<hbm>>) target(%arg6 : memref<40x125xi32, #tpu.memory_space<vmem>>) target_semaphore(%run_scoped3A : memref<!tpu.dma_semaphore, #tpu.memory_space<semaphore_mem>>)
      %dma_wait3A = arith.constant 0 : i32
      %dma_wait3A_27 = arith.constant 0 : i32
      %dma_wait3A_28 = tpu.memref_slice %arg2[%add3A, %dma_wait3A, %dma_wait3A_27] : memref<32x40x125xi32, #tpu.memory_space<hbm>> -> memref<1x40x125xi32, #tpu.memory_space<hbm>>
      %dma_wait3A_29 = tpu.memref_squeeze %dma_wait3A_28 : memref<1x40x125xi32, #tpu.memory_space<hbm>> -> memref<40x125xi32, #tpu.memory_space<hbm>>
      %dma_wait3A_30 = arith.constant 0 : i32
      %dma_wait3A_31 = arith.constant 0 : i32
      %dma_wait3A_32 = tpu.memref_slice %arg2[%add3A, %dma_wait3A_30, %dma_wait3A_31] : memref<32x40x125xi32, #tpu.memory_space<hbm>> -> memref<1x40x125xi32, #tpu.memory_space<hbm>>
      %dma_wait3A_33 = tpu.memref_squeeze %dma_wait3A_32 : memref<1x40x125xi32, #tpu.memory_space<hbm>> -> memref<40x125xi32, #tpu.memory_space<hbm>>
      tpu.wait_dma2 semaphore(%run_scoped3A : memref<!tpu.dma_semaphore, #tpu.memory_space<semaphore_mem>>) src(%dma_wait3A_33 : memref<40x125xi32, #tpu.memory_space<hbm>>) dst(%arg6 : memref<40x125xi32, #tpu.memory_space<vmem>>)
      tpu.yield
    }) : () -> ()
    "tpu.region"() ({
      %run_scoped3A = tpu.sem_alloc : memref<!tpu.dma_semaphore, #tpu.memory_space<semaphore_mem>>
      tpu.enqueue_dma source(%arg3 : memref<125x16xf32, #tpu.memory_space<hbm>>) target(%arg7 : memref<125x16xf32, #tpu.memory_space<vmem>>) target_semaphore(%run_scoped3A : memref<!tpu.dma_semaphore, #tpu.memory_space<semaphore_mem>>)
      tpu.wait_dma2 semaphore(%run_scoped3A : memref<!tpu.dma_semaphore, #tpu.memory_space<semaphore_mem>>) src(%arg3 : memref<125x16xf32, #tpu.memory_space<hbm>>) dst(%arg7 : memref<125x16xf32, #tpu.memory_space<vmem>>)
      tpu.yield
    }) : () -> ()
    %mul3A_1 = arith.constant 624 : i32
    %mul3A_2 = arith.muli %arg1, %mul3A_1 : i32
    "tpu.region"() ({
      %run_scoped3A = tpu.sem_alloc : memref<!tpu.dma_semaphore, #tpu.memory_space<semaphore_mem>>
      %dma_start3A = arith.constant 0 : i32
      %dma_start3A_20 = tpu.memref_slice %arg8[%mul3A_2, %dma_start3A] : memref<10000x16xf32, #tpu.memory_space<vmem_shared>> -> memref<624x16xf32, #tpu.memory_space<vmem_shared>>
      tpu.enqueue_dma source(%arg4 : memref<624x16xf32, #tpu.memory_space<hbm>>) target(%dma_start3A_20 : memref<624x16xf32, #tpu.memory_space<vmem_shared>>) target_semaphore(%run_scoped3A : memref<!tpu.dma_semaphore, #tpu.memory_space<semaphore_mem>>)
      %dma_wait3A = arith.constant 0 : i32
      %dma_wait3A_21 = tpu.memref_slice %arg8[%mul3A_2, %dma_wait3A] : memref<10000x16xf32, #tpu.memory_space<vmem_shared>> -> memref<624x16xf32, #tpu.memory_space<vmem_shared>>
      tpu.wait_dma2 semaphore(%run_scoped3A : memref<!tpu.dma_semaphore, #tpu.memory_space<semaphore_mem>>) src(%arg4 : memref<624x16xf32, #tpu.memory_space<hbm>>) dst(%dma_wait3A_21 : memref<624x16xf32, #tpu.memory_space<vmem_shared>>)
      tpu.yield
    }) : () -> ()
    %eq3A = arith.constant 0 : i32
    %eq3A_3 = arith.cmpi eq, %arg1, %eq3A : i32
    %convert_element_type3A = arith.extui %eq3A_3 : i1 to i32
    %cond3A = arith.constant 0 : i32
    %cond3A_4 = arith.cmpi ne, %convert_element_type3A, %cond3A : i32
    scf.if %cond3A_4 {
      "tpu.region"() ({
        %run_scoped3A = tpu.sem_alloc : memref<!tpu.dma_semaphore, #tpu.memory_space<semaphore_mem>>
        %dma_start3A = arith.constant 9984 : i32
        %dma_start3A_20 = arith.constant 0 : i32
        %dma_start3A_21 = tpu.memref_slice %arg8[%dma_start3A, %dma_start3A_20] : memref<10000x16xf32, #tpu.memory_space<vmem_shared>> -> memref<16x16xf32, #tpu.memory_space<vmem_shared>>
        %dma_start3A_22 = arith.constant 0 : i32
        %dma_start3A_23 = arith.constant 0 : i32
        %dma_start3A_24 = tpu.memref_slice %arg4[%dma_start3A_22, %dma_start3A_23] : memref<624x16xf32, #tpu.memory_space<hbm>> -> memref<16x16xf32, #tpu.memory_space<hbm>>
        tpu.enqueue_dma source(%dma_start3A_24 : memref<16x16xf32, #tpu.memory_space<hbm>>) target(%dma_start3A_21 : memref<16x16xf32, #tpu.memory_space<vmem_shared>>) target_semaphore(%run_scoped3A : memref<!tpu.dma_semaphore, #tpu.memory_space<semaphore_mem>>)
        %dma_wait3A = arith.constant 9984 : i32
        %dma_wait3A_25 = arith.constant 0 : i32
        %dma_wait3A_26 = tpu.memref_slice %arg8[%dma_wait3A, %dma_wait3A_25] : memref<10000x16xf32, #tpu.memory_space<vmem_shared>> -> memref<16x16xf32, #tpu.memory_space<vmem_shared>>
        %dma_wait3A_27 = arith.constant 0 : i32
        %dma_wait3A_28 = arith.constant 0 : i32
        %dma_wait3A_29 = tpu.memref_slice %arg4[%dma_wait3A_27, %dma_wait3A_28] : memref<624x16xf32, #tpu.memory_space<hbm>> -> memref<16x16xf32, #tpu.memory_space<hbm>>
        tpu.wait_dma2 semaphore(%run_scoped3A : memref<!tpu.dma_semaphore, #tpu.memory_space<semaphore_mem>>) src(%dma_wait3A_29 : memref<16x16xf32, #tpu.memory_space<hbm>>) dst(%dma_wait3A_26 : memref<16x16xf32, #tpu.memory_space<vmem_shared>>)
        tpu.yield
      }) : () -> ()
    } else {
    }
    %barrier3A = arith.constant 0 : index
    tpu.barrier barrier_id(%barrier3A)
    %scan3A = arith.constant 0 : i32
    %scan3A_5 = arith.constant 0 : i32
    %scan3A_6 = arith.constant 40 : i32
    %scan3A_7 = arith.addi %scan3A_5, %scan3A_6 : i32
    %scan3A_8 = arith.constant 1 : i32
    scf.for %scan3A_20 = %scan3A_5 to %scan3A_7 step %scan3A_8  : i32 {
      "tpu.region"() ({
        %run_scoped3A = tpu.sem_alloc : memref<!tpu.dma_semaphore, #tpu.memory_space<semaphore_mem>>
        %dma_start3A = arith.constant 0 : i32
        %dma_start3A_21 = tpu.memref_slice %arg6[%scan3A_20, %dma_start3A] : memref<40x125xi32, #tpu.memory_space<vmem>> -> memref<1x125xi32, #tpu.memory_space<vmem>>
        %dma_start3A_22 = tpu.memref_squeeze %dma_start3A_21 : memref<1x125xi32, #tpu.memory_space<vmem>> -> memref<125xi32, #tpu.memory_space<vmem>>
        %dma_start3A_23 = arith.constant 0 : i32
        %dma_start3A_24 = arith.constant 0 : i32
        %dma_start3A_25 = tpu.memref_slice %arg8[%dma_start3A_23, %dma_start3A_24] : memref<10000x16xf32, #tpu.memory_space<vmem_shared>> -> memref<10000x16xf32, #tpu.memory_space<vmem_shared>>
        tpu.enqueue_indirect_dma source(%arg7 : memref<125x16xf32, #tpu.memory_space<vmem>>) target(%dma_start3A_25 : memref<10000x16xf32, #tpu.memory_space<vmem_shared>>) offsets(%dma_start3A_22 : memref<125xi32, #tpu.memory_space<vmem>>) semaphore(%run_scoped3A : memref<!tpu.dma_semaphore, #tpu.memory_space<semaphore_mem>>) {add = true}
        %dma_wait3A = arith.constant 0 : i32
        %dma_wait3A_26 = tpu.memref_slice %arg6[%scan3A_20, %dma_wait3A] : memref<40x125xi32, #tpu.memory_space<vmem>> -> memref<1x125xi32, #tpu.memory_space<vmem>>
        %dma_wait3A_27 = tpu.memref_squeeze %dma_wait3A_26 : memref<1x125xi32, #tpu.memory_space<vmem>> -> memref<125xi32, #tpu.memory_space<vmem>>
        %dma_wait3A_28 = arith.constant 0 : i32
        %dma_wait3A_29 = arith.constant 0 : i32
        %dma_wait3A_30 = tpu.memref_slice %arg8[%dma_wait3A_28, %dma_wait3A_29] : memref<10000x16xf32, #tpu.memory_space<vmem_shared>> -> memref<10000x16xf32, #tpu.memory_space<vmem_shared>>
        tpu.wait_indirect_dma semaphore(%run_scoped3A : memref<!tpu.dma_semaphore, #tpu.memory_space<semaphore_mem>>) src(%arg7 : memref<125x16xf32, #tpu.memory_space<vmem>>) dst(%dma_wait3A_30 : memref<10000x16xf32, #tpu.memory_space<vmem_shared>>)
        tpu.yield
      }) : () -> ()
    }
    %scan3A_9 = arith.constant 40 : i32
    %barrier3A_10 = arith.constant 0 : index
    tpu.barrier barrier_id(%barrier3A_10)
    %mul3A_11 = arith.constant 624 : i32
    %mul3A_12 = arith.muli %arg1, %mul3A_11 : i32
    %mul3A_13 = arith.constant 624 : i32
    %mul3A_14 = arith.muli %arg1, %mul3A_13 : i32
    "tpu.region"() ({
      %run_scoped3A = tpu.sem_alloc : memref<!tpu.dma_semaphore, #tpu.memory_space<semaphore_mem>>
      %dma_start3A = arith.constant 0 : i32
      %dma_start3A_20 = tpu.memref_slice %arg5[%arg0, %mul3A_14, %dma_start3A] : memref<2x10000x16xf32, #tpu.memory_space<hbm>> -> memref<1x624x16xf32, #tpu.memory_space<hbm>>
      %dma_start3A_21 = tpu.memref_squeeze %dma_start3A_20 : memref<1x624x16xf32, #tpu.memory_space<hbm>> -> memref<624x16xf32, #tpu.memory_space<hbm>>
      %dma_start3A_22 = arith.constant 0 : i32
      %dma_start3A_23 = tpu.memref_slice %arg8[%mul3A_12, %dma_start3A_22] : memref<10000x16xf32, #tpu.memory_space<vmem_shared>> -> memref<624x16xf32, #tpu.memory_space<vmem_shared>>
      tpu.enqueue_dma source(%dma_start3A_23 : memref<624x16xf32, #tpu.memory_space<vmem_shared>>) target(%dma_start3A_21 : memref<624x16xf32, #tpu.memory_space<hbm>>) target_semaphore(%run_scoped3A : memref<!tpu.dma_semaphore, #tpu.memory_space<semaphore_mem>>)
      %dma_wait3A = arith.constant 0 : i32
      %dma_wait3A_24 = tpu.memref_slice %arg5[%arg0, %mul3A_14, %dma_wait3A] : memref<2x10000x16xf32, #tpu.memory_space<hbm>> -> memref<1x624x16xf32, #tpu.memory_space<hbm>>
      %dma_wait3A_25 = tpu.memref_squeeze %dma_wait3A_24 : memref<1x624x16xf32, #tpu.memory_space<hbm>> -> memref<624x16xf32, #tpu.memory_space<hbm>>
      %dma_wait3A_26 = arith.constant 0 : i32
      %dma_wait3A_27 = tpu.memref_slice %arg8[%mul3A_12, %dma_wait3A_26] : memref<10000x16xf32, #tpu.memory_space<vmem_shared>> -> memref<624x16xf32, #tpu.memory_space<vmem_shared>>
      tpu.wait_dma2 semaphore(%run_scoped3A : memref<!tpu.dma_semaphore, #tpu.memory_space<semaphore_mem>>) src(%dma_wait3A_27 : memref<624x16xf32, #tpu.memory_space<vmem_shared>>) dst(%dma_wait3A_25 : memref<624x16xf32, #tpu.memory_space<hbm>>)
      tpu.yield
    }) : () -> ()
    %eq3A_15 = arith.constant 0 : i32
    %eq3A_16 = arith.cmpi eq, %arg1, %eq3A_15 : i32
    %convert_element_type3A_17 = arith.extui %eq3A_16 : i1 to i32
    %cond3A_18 = arith.constant 0 : i32
    %cond3A_19 = arith.cmpi ne, %convert_element_type3A_17, %cond3A_18 : i32
    scf.if %cond3A_19 {
      "tpu.region"() ({
        %run_scoped3A = tpu.sem_alloc : memref<!tpu.dma_semaphore, #tpu.memory_space<semaphore_mem>>
        %dma_start3A = arith.constant 9984 : i32
        %dma_start3A_20 = arith.constant 0 : i32
        %dma_start3A_21 = tpu.memref_slice %arg5[%arg0, %dma_start3A, %dma_start3A_20] : memref<2x10000x16xf32, #tpu.memory_space<hbm>> -> memref<1x16x16xf32, #tpu.memory_space<hbm>>
        %dma_start3A_22 = tpu.memref_squeeze %dma_start3A_21 : memref<1x16x16xf32, #tpu.memory_space<hbm>> -> memref<16x16xf32, #tpu.memory_space<hbm>>
        %dma_start3A_23 = arith.constant 9984 : i32
        %dma_start3A_24 = arith.constant 0 : i32
        %dma_start3A_25 = tpu.memref_slice %arg8[%dma_start3A_23, %dma_start3A_24] : memref<10000x16xf32, #tpu.memory_space<vmem_shared>> -> memref<16x16xf32, #tpu.memory_space<vmem_shared>>
        tpu.enqueue_dma source(%dma_start3A_25 : memref<16x16xf32, #tpu.memory_space<vmem_shared>>) target(%dma_start3A_22 : memref<16x16xf32, #tpu.memory_space<hbm>>) target_semaphore(%run_scoped3A : memref<!tpu.dma_semaphore, #tpu.memory_space<semaphore_mem>>)
        %dma_wait3A = arith.constant 9984 : i32
        %dma_wait3A_26 = arith.constant 0 : i32
        %dma_wait3A_27 = tpu.memref_slice %arg5[%arg0, %dma_wait3A, %dma_wait3A_26] : memref<2x10000x16xf32, #tpu.memory_space<hbm>> -> memref<1x16x16xf32, #tpu.memory_space<hbm>>
        %dma_wait3A_28 = tpu.memref_squeeze %dma_wait3A_27 : memref<1x16x16xf32, #tpu.memory_space<hbm>> -> memref<16x16xf32, #tpu.memory_space<hbm>>
        %dma_wait3A_29 = arith.constant 9984 : i32
        %dma_wait3A_30 = arith.constant 0 : i32
        %dma_wait3A_31 = tpu.memref_slice %arg8[%dma_wait3A_29, %dma_wait3A_30] : memref<10000x16xf32, #tpu.memory_space<vmem_shared>> -> memref<16x16xf32, #tpu.memory_space<vmem_shared>>
        tpu.wait_dma2 semaphore(%run_scoped3A : memref<!tpu.dma_semaphore, #tpu.memory_space<semaphore_mem>>) src(%dma_wait3A_31 : memref<16x16xf32, #tpu.memory_space<vmem_shared>>) dst(%dma_wait3A_28 : memref<16x16xf32, #tpu.memory_space<hbm>>)
        tpu.yield
      }) : () -> ()
    } else {
    }
    return
  }
}

#map = affine_map<(d0, d1) -> (0, 0, 0)>
#map1 = affine_map<(d0, d1) -> (0, 0)>
module attributes {stable_mosaic.version = 14 : i64} {
  func.func @_sc_aggregate(%arg0: i32, %arg1: i32, %arg2: memref<32x40x125xi32, #tpu.memory_space<hbm>>, %arg3: memref<32x40x125xi32, #tpu.memory_space<hbm>>, %arg4: memref<10000x64xf32, #tpu.memory_space<hbm>>, %arg5: memref<624x64xf32, #tpu.memory_space<hbm>>, %arg6: memref<2x10000x64xf32, #tpu.memory_space<hbm>>, %arg7: memref<40x125xi32, #tpu.memory_space<vmem>>, %arg8: memref<40x125xi32, #tpu.memory_space<vmem>>, %arg9: memref<125x64xf32, #tpu.memory_space<vmem>>, %arg10: memref<10000x64xf32, #tpu.memory_space<vmem_shared>>, %arg11: memref<!tpu.dma_semaphore, #tpu.memory_space<semaphore_mem>>) attributes {dimension_semantics = [#tpu.dimension_semantics<core_parallel>, #tpu.dimension_semantics<subcore_parallel>], iteration_bounds = array<i64: 2, 16>, scalar_prefetch = 0 : i64, scratch_operands = 5 : i64, tpu.core_type = #tpu.core_type<sc_vector_subcore>, window_params = [{transform_indices = #map}, {transform_indices = #map}, {transform_indices = #map1}, {transform_indices = #map1}, {transform_indices = #map}]} {
    %mul3A = arith.constant 2 : i32
    %mul3A_0 = arith.muli %arg1, %mul3A : i32
    %add3A = arith.addi %mul3A_0, %arg0 : i32
    "tpu.region"() ({
      %run_scoped3A = tpu.sem_alloc : memref<!tpu.dma_semaphore, #tpu.memory_space<semaphore_mem>>
      %dma_start3A = arith.constant 0 : i32
      %dma_start3A_20 = arith.constant 0 : i32
      %dma_start3A_21 = tpu.memref_slice %arg2[%add3A, %dma_start3A, %dma_start3A_20] : memref<32x40x125xi32, #tpu.memory_space<hbm>> -> memref<1x40x125xi32, #tpu.memory_space<hbm>>
      %dma_start3A_22 = tpu.memref_squeeze %dma_start3A_21 : memref<1x40x125xi32, #tpu.memory_space<hbm>> -> memref<40x125xi32, #tpu.memory_space<hbm>>
      %dma_start3A_23 = arith.constant 0 : i32
      %dma_start3A_24 = arith.constant 0 : i32
      %dma_start3A_25 = tpu.memref_slice %arg2[%add3A, %dma_start3A_23, %dma_start3A_24] : memref<32x40x125xi32, #tpu.memory_space<hbm>> -> memref<1x40x125xi32, #tpu.memory_space<hbm>>
      %dma_start3A_26 = tpu.memref_squeeze %dma_start3A_25 : memref<1x40x125xi32, #tpu.memory_space<hbm>> -> memref<40x125xi32, #tpu.memory_space<hbm>>
      tpu.enqueue_dma source(%dma_start3A_26 : memref<40x125xi32, #tpu.memory_space<hbm>>) target(%arg7 : memref<40x125xi32, #tpu.memory_space<vmem>>) target_semaphore(%run_scoped3A : memref<!tpu.dma_semaphore, #tpu.memory_space<semaphore_mem>>)
      %dma_wait3A = arith.constant 0 : i32
      %dma_wait3A_27 = arith.constant 0 : i32
      %dma_wait3A_28 = tpu.memref_slice %arg2[%add3A, %dma_wait3A, %dma_wait3A_27] : memref<32x40x125xi32, #tpu.memory_space<hbm>> -> memref<1x40x125xi32, #tpu.memory_space<hbm>>
      %dma_wait3A_29 = tpu.memref_squeeze %dma_wait3A_28 : memref<1x40x125xi32, #tpu.memory_space<hbm>> -> memref<40x125xi32, #tpu.memory_space<hbm>>
      %dma_wait3A_30 = arith.constant 0 : i32
      %dma_wait3A_31 = arith.constant 0 : i32
      %dma_wait3A_32 = tpu.memref_slice %arg2[%add3A, %dma_wait3A_30, %dma_wait3A_31] : memref<32x40x125xi32, #tpu.memory_space<hbm>> -> memref<1x40x125xi32, #tpu.memory_space<hbm>>
      %dma_wait3A_33 = tpu.memref_squeeze %dma_wait3A_32 : memref<1x40x125xi32, #tpu.memory_space<hbm>> -> memref<40x125xi32, #tpu.memory_space<hbm>>
      tpu.wait_dma2 semaphore(%run_scoped3A : memref<!tpu.dma_semaphore, #tpu.memory_space<semaphore_mem>>) src(%dma_wait3A_33 : memref<40x125xi32, #tpu.memory_space<hbm>>) dst(%arg7 : memref<40x125xi32, #tpu.memory_space<vmem>>)
      tpu.yield
    }) : () -> ()
    "tpu.region"() ({
      %run_scoped3A = tpu.sem_alloc : memref<!tpu.dma_semaphore, #tpu.memory_space<semaphore_mem>>
      %dma_start3A = arith.constant 0 : i32
      %dma_start3A_20 = arith.constant 0 : i32
      %dma_start3A_21 = tpu.memref_slice %arg3[%add3A, %dma_start3A, %dma_start3A_20] : memref<32x40x125xi32, #tpu.memory_space<hbm>> -> memref<1x40x125xi32, #tpu.memory_space<hbm>>
      %dma_start3A_22 = tpu.memref_squeeze %dma_start3A_21 : memref<1x40x125xi32, #tpu.memory_space<hbm>> -> memref<40x125xi32, #tpu.memory_space<hbm>>
      %dma_start3A_23 = arith.constant 0 : i32
      %dma_start3A_24 = arith.constant 0 : i32
      %dma_start3A_25 = tpu.memref_slice %arg3[%add3A, %dma_start3A_23, %dma_start3A_24] : memref<32x40x125xi32, #tpu.memory_space<hbm>> -> memref<1x40x125xi32, #tpu.memory_space<hbm>>
      %dma_start3A_26 = tpu.memref_squeeze %dma_start3A_25 : memref<1x40x125xi32, #tpu.memory_space<hbm>> -> memref<40x125xi32, #tpu.memory_space<hbm>>
      tpu.enqueue_dma source(%dma_start3A_26 : memref<40x125xi32, #tpu.memory_space<hbm>>) target(%arg8 : memref<40x125xi32, #tpu.memory_space<vmem>>) target_semaphore(%run_scoped3A : memref<!tpu.dma_semaphore, #tpu.memory_space<semaphore_mem>>)
      %dma_wait3A = arith.constant 0 : i32
      %dma_wait3A_27 = arith.constant 0 : i32
      %dma_wait3A_28 = tpu.memref_slice %arg3[%add3A, %dma_wait3A, %dma_wait3A_27] : memref<32x40x125xi32, #tpu.memory_space<hbm>> -> memref<1x40x125xi32, #tpu.memory_space<hbm>>
      %dma_wait3A_29 = tpu.memref_squeeze %dma_wait3A_28 : memref<1x40x125xi32, #tpu.memory_space<hbm>> -> memref<40x125xi32, #tpu.memory_space<hbm>>
      %dma_wait3A_30 = arith.constant 0 : i32
      %dma_wait3A_31 = arith.constant 0 : i32
      %dma_wait3A_32 = tpu.memref_slice %arg3[%add3A, %dma_wait3A_30, %dma_wait3A_31] : memref<32x40x125xi32, #tpu.memory_space<hbm>> -> memref<1x40x125xi32, #tpu.memory_space<hbm>>
      %dma_wait3A_33 = tpu.memref_squeeze %dma_wait3A_32 : memref<1x40x125xi32, #tpu.memory_space<hbm>> -> memref<40x125xi32, #tpu.memory_space<hbm>>
      tpu.wait_dma2 semaphore(%run_scoped3A : memref<!tpu.dma_semaphore, #tpu.memory_space<semaphore_mem>>) src(%dma_wait3A_33 : memref<40x125xi32, #tpu.memory_space<hbm>>) dst(%arg8 : memref<40x125xi32, #tpu.memory_space<vmem>>)
      tpu.yield
    }) : () -> ()
    %mul3A_1 = arith.constant 624 : i32
    %mul3A_2 = arith.muli %arg1, %mul3A_1 : i32
    "tpu.region"() ({
      %run_scoped3A = tpu.sem_alloc : memref<!tpu.dma_semaphore, #tpu.memory_space<semaphore_mem>>
      %dma_start3A = arith.constant 0 : i32
      %dma_start3A_20 = tpu.memref_slice %arg10[%mul3A_2, %dma_start3A] : memref<10000x64xf32, #tpu.memory_space<vmem_shared>> -> memref<624x64xf32, #tpu.memory_space<vmem_shared>>
      tpu.enqueue_dma source(%arg5 : memref<624x64xf32, #tpu.memory_space<hbm>>) target(%dma_start3A_20 : memref<624x64xf32, #tpu.memory_space<vmem_shared>>) target_semaphore(%run_scoped3A : memref<!tpu.dma_semaphore, #tpu.memory_space<semaphore_mem>>)
      %dma_wait3A = arith.constant 0 : i32
      %dma_wait3A_21 = tpu.memref_slice %arg10[%mul3A_2, %dma_wait3A] : memref<10000x64xf32, #tpu.memory_space<vmem_shared>> -> memref<624x64xf32, #tpu.memory_space<vmem_shared>>
      tpu.wait_dma2 semaphore(%run_scoped3A : memref<!tpu.dma_semaphore, #tpu.memory_space<semaphore_mem>>) src(%arg5 : memref<624x64xf32, #tpu.memory_space<hbm>>) dst(%dma_wait3A_21 : memref<624x64xf32, #tpu.memory_space<vmem_shared>>)
      tpu.yield
    }) : () -> ()
    %eq3A = arith.constant 0 : i32
    %eq3A_3 = arith.cmpi eq, %arg1, %eq3A : i32
    %convert_element_type3A = arith.extui %eq3A_3 : i1 to i32
    %cond3A = arith.constant 0 : i32
    %cond3A_4 = arith.cmpi ne, %convert_element_type3A, %cond3A : i32
    scf.if %cond3A_4 {
      "tpu.region"() ({
        %run_scoped3A = tpu.sem_alloc : memref<!tpu.dma_semaphore, #tpu.memory_space<semaphore_mem>>
        %dma_start3A = arith.constant 9984 : i32
        %dma_start3A_20 = arith.constant 0 : i32
        %dma_start3A_21 = tpu.memref_slice %arg10[%dma_start3A, %dma_start3A_20] : memref<10000x64xf32, #tpu.memory_space<vmem_shared>> -> memref<16x64xf32, #tpu.memory_space<vmem_shared>>
        %dma_start3A_22 = arith.constant 0 : i32
        %dma_start3A_23 = arith.constant 0 : i32
        %dma_start3A_24 = tpu.memref_slice %arg5[%dma_start3A_22, %dma_start3A_23] : memref<624x64xf32, #tpu.memory_space<hbm>> -> memref<16x64xf32, #tpu.memory_space<hbm>>
        tpu.enqueue_dma source(%dma_start3A_24 : memref<16x64xf32, #tpu.memory_space<hbm>>) target(%dma_start3A_21 : memref<16x64xf32, #tpu.memory_space<vmem_shared>>) target_semaphore(%run_scoped3A : memref<!tpu.dma_semaphore, #tpu.memory_space<semaphore_mem>>)
        %dma_wait3A = arith.constant 9984 : i32
        %dma_wait3A_25 = arith.constant 0 : i32
        %dma_wait3A_26 = tpu.memref_slice %arg10[%dma_wait3A, %dma_wait3A_25] : memref<10000x64xf32, #tpu.memory_space<vmem_shared>> -> memref<16x64xf32, #tpu.memory_space<vmem_shared>>
        %dma_wait3A_27 = arith.constant 0 : i32
        %dma_wait3A_28 = arith.constant 0 : i32
        %dma_wait3A_29 = tpu.memref_slice %arg5[%dma_wait3A_27, %dma_wait3A_28] : memref<624x64xf32, #tpu.memory_space<hbm>> -> memref<16x64xf32, #tpu.memory_space<hbm>>
        tpu.wait_dma2 semaphore(%run_scoped3A : memref<!tpu.dma_semaphore, #tpu.memory_space<semaphore_mem>>) src(%dma_wait3A_29 : memref<16x64xf32, #tpu.memory_space<hbm>>) dst(%dma_wait3A_26 : memref<16x64xf32, #tpu.memory_space<vmem_shared>>)
        tpu.yield
      }) : () -> ()
    } else {
    }
    %barrier3A = arith.constant 0 : index
    tpu.barrier barrier_id(%barrier3A)
    %scan3A = arith.constant 0 : i32
    %scan3A_5 = arith.constant 0 : i32
    %scan3A_6 = arith.constant 40 : i32
    %scan3A_7 = arith.addi %scan3A_5, %scan3A_6 : i32
    %scan3A_8 = arith.constant 1 : i32
    scf.for %scan3A_20 = %scan3A_5 to %scan3A_7 step %scan3A_8  : i32 {
      %dma_start3A = arith.constant 0 : i32
      %dma_start3A_21 = tpu.memref_slice %arg7[%scan3A_20, %dma_start3A] : memref<40x125xi32, #tpu.memory_space<vmem>> -> memref<1x125xi32, #tpu.memory_space<vmem>>
      %dma_start3A_22 = tpu.memref_squeeze %dma_start3A_21 : memref<1x125xi32, #tpu.memory_space<vmem>> -> memref<125xi32, #tpu.memory_space<vmem>>
      %dma_start3A_23 = arith.constant 0 : i32
      %dma_start3A_24 = arith.constant 0 : i32
      %dma_start3A_25 = tpu.memref_slice %arg4[%dma_start3A_23, %dma_start3A_24] : memref<10000x64xf32, #tpu.memory_space<hbm>> -> memref<10000x64xf32, #tpu.memory_space<hbm>>
      tpu.enqueue_indirect_dma source(%dma_start3A_25 : memref<10000x64xf32, #tpu.memory_space<hbm>>) target(%arg9 : memref<125x64xf32, #tpu.memory_space<vmem>>) offsets(%dma_start3A_22 : memref<125xi32, #tpu.memory_space<vmem>>) semaphore(%arg11 : memref<!tpu.dma_semaphore, #tpu.memory_space<semaphore_mem>>)
      %dma_wait3A = arith.constant 0 : i32
      %dma_wait3A_26 = tpu.memref_slice %arg7[%scan3A_20, %dma_wait3A] : memref<40x125xi32, #tpu.memory_space<vmem>> -> memref<1x125xi32, #tpu.memory_space<vmem>>
      %dma_wait3A_27 = tpu.memref_squeeze %dma_wait3A_26 : memref<1x125xi32, #tpu.memory_space<vmem>> -> memref<125xi32, #tpu.memory_space<vmem>>
      %dma_wait3A_28 = arith.constant 0 : i32
      %dma_wait3A_29 = arith.constant 0 : i32
      %dma_wait3A_30 = tpu.memref_slice %arg4[%dma_wait3A_28, %dma_wait3A_29] : memref<10000x64xf32, #tpu.memory_space<hbm>> -> memref<10000x64xf32, #tpu.memory_space<hbm>>
      tpu.wait_indirect_dma semaphore(%arg11 : memref<!tpu.dma_semaphore, #tpu.memory_space<semaphore_mem>>) src(%dma_wait3A_30 : memref<10000x64xf32, #tpu.memory_space<hbm>>) dst(%arg9 : memref<125x64xf32, #tpu.memory_space<vmem>>)
      "tpu.region"() ({
        %run_scoped3A = tpu.sem_alloc : memref<!tpu.dma_semaphore, #tpu.memory_space<semaphore_mem>>
        %dma_start3A_31 = arith.constant 0 : i32
        %dma_start3A_32 = tpu.memref_slice %arg8[%scan3A_20, %dma_start3A_31] : memref<40x125xi32, #tpu.memory_space<vmem>> -> memref<1x125xi32, #tpu.memory_space<vmem>>
        %dma_start3A_33 = tpu.memref_squeeze %dma_start3A_32 : memref<1x125xi32, #tpu.memory_space<vmem>> -> memref<125xi32, #tpu.memory_space<vmem>>
        %dma_start3A_34 = arith.constant 0 : i32
        %dma_start3A_35 = arith.constant 0 : i32
        %dma_start3A_36 = tpu.memref_slice %arg10[%dma_start3A_34, %dma_start3A_35] : memref<10000x64xf32, #tpu.memory_space<vmem_shared>> -> memref<10000x64xf32, #tpu.memory_space<vmem_shared>>
        tpu.enqueue_indirect_dma source(%arg9 : memref<125x64xf32, #tpu.memory_space<vmem>>) target(%dma_start3A_36 : memref<10000x64xf32, #tpu.memory_space<vmem_shared>>) offsets(%dma_start3A_33 : memref<125xi32, #tpu.memory_space<vmem>>) semaphore(%run_scoped3A : memref<!tpu.dma_semaphore, #tpu.memory_space<semaphore_mem>>) {add = true}
        %dma_wait3A_37 = arith.constant 0 : i32
        %dma_wait3A_38 = tpu.memref_slice %arg8[%scan3A_20, %dma_wait3A_37] : memref<40x125xi32, #tpu.memory_space<vmem>> -> memref<1x125xi32, #tpu.memory_space<vmem>>
        %dma_wait3A_39 = tpu.memref_squeeze %dma_wait3A_38 : memref<1x125xi32, #tpu.memory_space<vmem>> -> memref<125xi32, #tpu.memory_space<vmem>>
        %dma_wait3A_40 = arith.constant 0 : i32
        %dma_wait3A_41 = arith.constant 0 : i32
        %dma_wait3A_42 = tpu.memref_slice %arg10[%dma_wait3A_40, %dma_wait3A_41] : memref<10000x64xf32, #tpu.memory_space<vmem_shared>> -> memref<10000x64xf32, #tpu.memory_space<vmem_shared>>
        tpu.wait_indirect_dma semaphore(%run_scoped3A : memref<!tpu.dma_semaphore, #tpu.memory_space<semaphore_mem>>) src(%arg9 : memref<125x64xf32, #tpu.memory_space<vmem>>) dst(%dma_wait3A_42 : memref<10000x64xf32, #tpu.memory_space<vmem_shared>>)
        tpu.yield
      }) : () -> ()
    }
    %scan3A_9 = arith.constant 40 : i32
    %barrier3A_10 = arith.constant 0 : index
    tpu.barrier barrier_id(%barrier3A_10)
    %mul3A_11 = arith.constant 624 : i32
    %mul3A_12 = arith.muli %arg1, %mul3A_11 : i32
    %mul3A_13 = arith.constant 624 : i32
    %mul3A_14 = arith.muli %arg1, %mul3A_13 : i32
    "tpu.region"() ({
      %run_scoped3A = tpu.sem_alloc : memref<!tpu.dma_semaphore, #tpu.memory_space<semaphore_mem>>
      %dma_start3A = arith.constant 0 : i32
      %dma_start3A_20 = tpu.memref_slice %arg6[%arg0, %mul3A_14, %dma_start3A] : memref<2x10000x64xf32, #tpu.memory_space<hbm>> -> memref<1x624x64xf32, #tpu.memory_space<hbm>>
      %dma_start3A_21 = tpu.memref_squeeze %dma_start3A_20 : memref<1x624x64xf32, #tpu.memory_space<hbm>> -> memref<624x64xf32, #tpu.memory_space<hbm>>
      %dma_start3A_22 = arith.constant 0 : i32
      %dma_start3A_23 = tpu.memref_slice %arg10[%mul3A_12, %dma_start3A_22] : memref<10000x64xf32, #tpu.memory_space<vmem_shared>> -> memref<624x64xf32, #tpu.memory_space<vmem_shared>>
      tpu.enqueue_dma source(%dma_start3A_23 : memref<624x64xf32, #tpu.memory_space<vmem_shared>>) target(%dma_start3A_21 : memref<624x64xf32, #tpu.memory_space<hbm>>) target_semaphore(%run_scoped3A : memref<!tpu.dma_semaphore, #tpu.memory_space<semaphore_mem>>)
      %dma_wait3A = arith.constant 0 : i32
      %dma_wait3A_24 = tpu.memref_slice %arg6[%arg0, %mul3A_14, %dma_wait3A] : memref<2x10000x64xf32, #tpu.memory_space<hbm>> -> memref<1x624x64xf32, #tpu.memory_space<hbm>>
      %dma_wait3A_25 = tpu.memref_squeeze %dma_wait3A_24 : memref<1x624x64xf32, #tpu.memory_space<hbm>> -> memref<624x64xf32, #tpu.memory_space<hbm>>
      %dma_wait3A_26 = arith.constant 0 : i32
      %dma_wait3A_27 = tpu.memref_slice %arg10[%mul3A_12, %dma_wait3A_26] : memref<10000x64xf32, #tpu.memory_space<vmem_shared>> -> memref<624x64xf32, #tpu.memory_space<vmem_shared>>
      tpu.wait_dma2 semaphore(%run_scoped3A : memref<!tpu.dma_semaphore, #tpu.memory_space<semaphore_mem>>) src(%dma_wait3A_27 : memref<624x64xf32, #tpu.memory_space<vmem_shared>>) dst(%dma_wait3A_25 : memref<624x64xf32, #tpu.memory_space<hbm>>)
      tpu.yield
    }) : () -> ()
    %eq3A_15 = arith.constant 0 : i32
    %eq3A_16 = arith.cmpi eq, %arg1, %eq3A_15 : i32
    %convert_element_type3A_17 = arith.extui %eq3A_16 : i1 to i32
    %cond3A_18 = arith.constant 0 : i32
    %cond3A_19 = arith.cmpi ne, %convert_element_type3A_17, %cond3A_18 : i32
    scf.if %cond3A_19 {
      "tpu.region"() ({
        %run_scoped3A = tpu.sem_alloc : memref<!tpu.dma_semaphore, #tpu.memory_space<semaphore_mem>>
        %dma_start3A = arith.constant 9984 : i32
        %dma_start3A_20 = arith.constant 0 : i32
        %dma_start3A_21 = tpu.memref_slice %arg6[%arg0, %dma_start3A, %dma_start3A_20] : memref<2x10000x64xf32, #tpu.memory_space<hbm>> -> memref<1x16x64xf32, #tpu.memory_space<hbm>>
        %dma_start3A_22 = tpu.memref_squeeze %dma_start3A_21 : memref<1x16x64xf32, #tpu.memory_space<hbm>> -> memref<16x64xf32, #tpu.memory_space<hbm>>
        %dma_start3A_23 = arith.constant 9984 : i32
        %dma_start3A_24 = arith.constant 0 : i32
        %dma_start3A_25 = tpu.memref_slice %arg10[%dma_start3A_23, %dma_start3A_24] : memref<10000x64xf32, #tpu.memory_space<vmem_shared>> -> memref<16x64xf32, #tpu.memory_space<vmem_shared>>
        tpu.enqueue_dma source(%dma_start3A_25 : memref<16x64xf32, #tpu.memory_space<vmem_shared>>) target(%dma_start3A_22 : memref<16x64xf32, #tpu.memory_space<hbm>>) target_semaphore(%run_scoped3A : memref<!tpu.dma_semaphore, #tpu.memory_space<semaphore_mem>>)
        %dma_wait3A = arith.constant 9984 : i32
        %dma_wait3A_26 = arith.constant 0 : i32
        %dma_wait3A_27 = tpu.memref_slice %arg6[%arg0, %dma_wait3A, %dma_wait3A_26] : memref<2x10000x64xf32, #tpu.memory_space<hbm>> -> memref<1x16x64xf32, #tpu.memory_space<hbm>>
        %dma_wait3A_28 = tpu.memref_squeeze %dma_wait3A_27 : memref<1x16x64xf32, #tpu.memory_space<hbm>> -> memref<16x64xf32, #tpu.memory_space<hbm>>
        %dma_wait3A_29 = arith.constant 9984 : i32
        %dma_wait3A_30 = arith.constant 0 : i32
        %dma_wait3A_31 = tpu.memref_slice %arg10[%dma_wait3A_29, %dma_wait3A_30] : memref<10000x64xf32, #tpu.memory_space<vmem_shared>> -> memref<16x64xf32, #tpu.memory_space<vmem_shared>>
        tpu.wait_dma2 semaphore(%run_scoped3A : memref<!tpu.dma_semaphore, #tpu.memory_space<semaphore_mem>>) src(%dma_wait3A_31 : memref<16x64xf32, #tpu.memory_space<vmem_shared>>) dst(%dma_wait3A_28 : memref<16x64xf32, #tpu.memory_space<hbm>>)
        tpu.yield
      }) : () -> ()
    } else {
    }
    return
  }
}

#map = affine_map<(d0, d1) -> (0, 0, 0)>
#map1 = affine_map<(d0, d1) -> (0, 0)>
module attributes {stable_mosaic.version = 14 : i64} {
  func.func @_sc_aggregate(%arg0: i32, %arg1: i32, %arg2: memref<32x40x125xi32, #tpu.memory_space<hbm>>, %arg3: memref<32x40x125xi32, #tpu.memory_space<hbm>>, %arg4: memref<10000x64xf32, #tpu.memory_space<hbm>>, %arg5: memref<624x64xf32, #tpu.memory_space<hbm>>, %arg6: memref<2x10000x64xf32, #tpu.memory_space<hbm>>, %arg7: memref<40x125xi32, #tpu.memory_space<vmem>>, %arg8: memref<40x125xi32, #tpu.memory_space<vmem>>, %arg9: memref<125x64xf32, #tpu.memory_space<vmem>>, %arg10: memref<10000x64xf32, #tpu.memory_space<vmem_shared>>, %arg11: memref<!tpu.dma_semaphore, #tpu.memory_space<semaphore_mem>>) attributes {dimension_semantics = [#tpu.dimension_semantics<core_parallel>, #tpu.dimension_semantics<subcore_parallel>], iteration_bounds = array<i64: 2, 16>, scalar_prefetch = 0 : i64, scratch_operands = 5 : i64, tpu.core_type = #tpu.core_type<sc_vector_subcore>, window_params = [{transform_indices = #map}, {transform_indices = #map}, {transform_indices = #map1}, {transform_indices = #map1}, {transform_indices = #map}]} {
    %mul3A = arith.constant 2 : i32
    %mul3A_0 = arith.muli %arg1, %mul3A : i32
    %add3A = arith.addi %mul3A_0, %arg0 : i32
    "tpu.region"() ({
      %run_scoped3A = tpu.sem_alloc : memref<!tpu.dma_semaphore, #tpu.memory_space<semaphore_mem>>
      %dma_start3A = arith.constant 0 : i32
      %dma_start3A_20 = arith.constant 0 : i32
      %dma_start3A_21 = tpu.memref_slice %arg2[%add3A, %dma_start3A, %dma_start3A_20] : memref<32x40x125xi32, #tpu.memory_space<hbm>> -> memref<1x40x125xi32, #tpu.memory_space<hbm>>
      %dma_start3A_22 = tpu.memref_squeeze %dma_start3A_21 : memref<1x40x125xi32, #tpu.memory_space<hbm>> -> memref<40x125xi32, #tpu.memory_space<hbm>>
      %dma_start3A_23 = arith.constant 0 : i32
      %dma_start3A_24 = arith.constant 0 : i32
      %dma_start3A_25 = tpu.memref_slice %arg2[%add3A, %dma_start3A_23, %dma_start3A_24] : memref<32x40x125xi32, #tpu.memory_space<hbm>> -> memref<1x40x125xi32, #tpu.memory_space<hbm>>
      %dma_start3A_26 = tpu.memref_squeeze %dma_start3A_25 : memref<1x40x125xi32, #tpu.memory_space<hbm>> -> memref<40x125xi32, #tpu.memory_space<hbm>>
      tpu.enqueue_dma source(%dma_start3A_26 : memref<40x125xi32, #tpu.memory_space<hbm>>) target(%arg7 : memref<40x125xi32, #tpu.memory_space<vmem>>) target_semaphore(%run_scoped3A : memref<!tpu.dma_semaphore, #tpu.memory_space<semaphore_mem>>)
      %dma_wait3A = arith.constant 0 : i32
      %dma_wait3A_27 = arith.constant 0 : i32
      %dma_wait3A_28 = tpu.memref_slice %arg2[%add3A, %dma_wait3A, %dma_wait3A_27] : memref<32x40x125xi32, #tpu.memory_space<hbm>> -> memref<1x40x125xi32, #tpu.memory_space<hbm>>
      %dma_wait3A_29 = tpu.memref_squeeze %dma_wait3A_28 : memref<1x40x125xi32, #tpu.memory_space<hbm>> -> memref<40x125xi32, #tpu.memory_space<hbm>>
      %dma_wait3A_30 = arith.constant 0 : i32
      %dma_wait3A_31 = arith.constant 0 : i32
      %dma_wait3A_32 = tpu.memref_slice %arg2[%add3A, %dma_wait3A_30, %dma_wait3A_31] : memref<32x40x125xi32, #tpu.memory_space<hbm>> -> memref<1x40x125xi32, #tpu.memory_space<hbm>>
      %dma_wait3A_33 = tpu.memref_squeeze %dma_wait3A_32 : memref<1x40x125xi32, #tpu.memory_space<hbm>> -> memref<40x125xi32, #tpu.memory_space<hbm>>
      tpu.wait_dma2 semaphore(%run_scoped3A : memref<!tpu.dma_semaphore, #tpu.memory_space<semaphore_mem>>) src(%dma_wait3A_33 : memref<40x125xi32, #tpu.memory_space<hbm>>) dst(%arg7 : memref<40x125xi32, #tpu.memory_space<vmem>>)
      tpu.yield
    }) : () -> ()
    "tpu.region"() ({
      %run_scoped3A = tpu.sem_alloc : memref<!tpu.dma_semaphore, #tpu.memory_space<semaphore_mem>>
      %dma_start3A = arith.constant 0 : i32
      %dma_start3A_20 = arith.constant 0 : i32
      %dma_start3A_21 = tpu.memref_slice %arg3[%add3A, %dma_start3A, %dma_start3A_20] : memref<32x40x125xi32, #tpu.memory_space<hbm>> -> memref<1x40x125xi32, #tpu.memory_space<hbm>>
      %dma_start3A_22 = tpu.memref_squeeze %dma_start3A_21 : memref<1x40x125xi32, #tpu.memory_space<hbm>> -> memref<40x125xi32, #tpu.memory_space<hbm>>
      %dma_start3A_23 = arith.constant 0 : i32
      %dma_start3A_24 = arith.constant 0 : i32
      %dma_start3A_25 = tpu.memref_slice %arg3[%add3A, %dma_start3A_23, %dma_start3A_24] : memref<32x40x125xi32, #tpu.memory_space<hbm>> -> memref<1x40x125xi32, #tpu.memory_space<hbm>>
      %dma_start3A_26 = tpu.memref_squeeze %dma_start3A_25 : memref<1x40x125xi32, #tpu.memory_space<hbm>> -> memref<40x125xi32, #tpu.memory_space<hbm>>
      tpu.enqueue_dma source(%dma_start3A_26 : memref<40x125xi32, #tpu.memory_space<hbm>>) target(%arg8 : memref<40x125xi32, #tpu.memory_space<vmem>>) target_semaphore(%run_scoped3A : memref<!tpu.dma_semaphore, #tpu.memory_space<semaphore_mem>>)
      %dma_wait3A = arith.constant 0 : i32
      %dma_wait3A_27 = arith.constant 0 : i32
      %dma_wait3A_28 = tpu.memref_slice %arg3[%add3A, %dma_wait3A, %dma_wait3A_27] : memref<32x40x125xi32, #tpu.memory_space<hbm>> -> memref<1x40x125xi32, #tpu.memory_space<hbm>>
      %dma_wait3A_29 = tpu.memref_squeeze %dma_wait3A_28 : memref<1x40x125xi32, #tpu.memory_space<hbm>> -> memref<40x125xi32, #tpu.memory_space<hbm>>
      %dma_wait3A_30 = arith.constant 0 : i32
      %dma_wait3A_31 = arith.constant 0 : i32
      %dma_wait3A_32 = tpu.memref_slice %arg3[%add3A, %dma_wait3A_30, %dma_wait3A_31] : memref<32x40x125xi32, #tpu.memory_space<hbm>> -> memref<1x40x125xi32, #tpu.memory_space<hbm>>
      %dma_wait3A_33 = tpu.memref_squeeze %dma_wait3A_32 : memref<1x40x125xi32, #tpu.memory_space<hbm>> -> memref<40x125xi32, #tpu.memory_space<hbm>>
      tpu.wait_dma2 semaphore(%run_scoped3A : memref<!tpu.dma_semaphore, #tpu.memory_space<semaphore_mem>>) src(%dma_wait3A_33 : memref<40x125xi32, #tpu.memory_space<hbm>>) dst(%arg8 : memref<40x125xi32, #tpu.memory_space<vmem>>)
      tpu.yield
    }) : () -> ()
    %mul3A_1 = arith.constant 624 : i32
    %mul3A_2 = arith.muli %arg1, %mul3A_1 : i32
    "tpu.region"() ({
      %run_scoped3A = tpu.sem_alloc : memref<!tpu.dma_semaphore, #tpu.memory_space<semaphore_mem>>
      %dma_start3A = arith.constant 0 : i32
      %dma_start3A_20 = tpu.memref_slice %arg10[%mul3A_2, %dma_start3A] : memref<10000x64xf32, #tpu.memory_space<vmem_shared>> -> memref<624x64xf32, #tpu.memory_space<vmem_shared>>
      tpu.enqueue_dma source(%arg5 : memref<624x64xf32, #tpu.memory_space<hbm>>) target(%dma_start3A_20 : memref<624x64xf32, #tpu.memory_space<vmem_shared>>) target_semaphore(%run_scoped3A : memref<!tpu.dma_semaphore, #tpu.memory_space<semaphore_mem>>)
      %dma_wait3A = arith.constant 0 : i32
      %dma_wait3A_21 = tpu.memref_slice %arg10[%mul3A_2, %dma_wait3A] : memref<10000x64xf32, #tpu.memory_space<vmem_shared>> -> memref<624x64xf32, #tpu.memory_space<vmem_shared>>
      tpu.wait_dma2 semaphore(%run_scoped3A : memref<!tpu.dma_semaphore, #tpu.memory_space<semaphore_mem>>) src(%arg5 : memref<624x64xf32, #tpu.memory_space<hbm>>) dst(%dma_wait3A_21 : memref<624x64xf32, #tpu.memory_space<vmem_shared>>)
      tpu.yield
    }) : () -> ()
    %eq3A = arith.constant 0 : i32
    %eq3A_3 = arith.cmpi eq, %arg1, %eq3A : i32
    %convert_element_type3A = arith.extui %eq3A_3 : i1 to i32
    %cond3A = arith.constant 0 : i32
    %cond3A_4 = arith.cmpi ne, %convert_element_type3A, %cond3A : i32
    scf.if %cond3A_4 {
      "tpu.region"() ({
        %run_scoped3A = tpu.sem_alloc : memref<!tpu.dma_semaphore, #tpu.memory_space<semaphore_mem>>
        %dma_start3A = arith.constant 9984 : i32
        %dma_start3A_20 = arith.constant 0 : i32
        %dma_start3A_21 = tpu.memref_slice %arg10[%dma_start3A, %dma_start3A_20] : memref<10000x64xf32, #tpu.memory_space<vmem_shared>> -> memref<16x64xf32, #tpu.memory_space<vmem_shared>>
        %dma_start3A_22 = arith.constant 0 : i32
        %dma_start3A_23 = arith.constant 0 : i32
        %dma_start3A_24 = tpu.memref_slice %arg5[%dma_start3A_22, %dma_start3A_23] : memref<624x64xf32, #tpu.memory_space<hbm>> -> memref<16x64xf32, #tpu.memory_space<hbm>>
        tpu.enqueue_dma source(%dma_start3A_24 : memref<16x64xf32, #tpu.memory_space<hbm>>) target(%dma_start3A_21 : memref<16x64xf32, #tpu.memory_space<vmem_shared>>) target_semaphore(%run_scoped3A : memref<!tpu.dma_semaphore, #tpu.memory_space<semaphore_mem>>)
        %dma_wait3A = arith.constant 9984 : i32
        %dma_wait3A_25 = arith.constant 0 : i32
        %dma_wait3A_26 = tpu.memref_slice %arg10[%dma_wait3A, %dma_wait3A_25] : memref<10000x64xf32, #tpu.memory_space<vmem_shared>> -> memref<16x64xf32, #tpu.memory_space<vmem_shared>>
        %dma_wait3A_27 = arith.constant 0 : i32
        %dma_wait3A_28 = arith.constant 0 : i32
        %dma_wait3A_29 = tpu.memref_slice %arg5[%dma_wait3A_27, %dma_wait3A_28] : memref<624x64xf32, #tpu.memory_space<hbm>> -> memref<16x64xf32, #tpu.memory_space<hbm>>
        tpu.wait_dma2 semaphore(%run_scoped3A : memref<!tpu.dma_semaphore, #tpu.memory_space<semaphore_mem>>) src(%dma_wait3A_29 : memref<16x64xf32, #tpu.memory_space<hbm>>) dst(%dma_wait3A_26 : memref<16x64xf32, #tpu.memory_space<vmem_shared>>)
        tpu.yield
      }) : () -> ()
    } else {
    }
    %barrier3A = arith.constant 0 : index
    tpu.barrier barrier_id(%barrier3A)
    %scan3A = arith.constant 0 : i32
    %scan3A_5 = arith.constant 0 : i32
    %scan3A_6 = arith.constant 40 : i32
    %scan3A_7 = arith.addi %scan3A_5, %scan3A_6 : i32
    %scan3A_8 = arith.constant 1 : i32
    scf.for %scan3A_20 = %scan3A_5 to %scan3A_7 step %scan3A_8  : i32 {
      %dma_start3A = arith.constant 0 : i32
      %dma_start3A_21 = tpu.memref_slice %arg7[%scan3A_20, %dma_start3A] : memref<40x125xi32, #tpu.memory_space<vmem>> -> memref<1x125xi32, #tpu.memory_space<vmem>>
      %dma_start3A_22 = tpu.memref_squeeze %dma_start3A_21 : memref<1x125xi32, #tpu.memory_space<vmem>> -> memref<125xi32, #tpu.memory_space<vmem>>
      %dma_start3A_23 = arith.constant 0 : i32
      %dma_start3A_24 = arith.constant 0 : i32
      %dma_start3A_25 = tpu.memref_slice %arg4[%dma_start3A_23, %dma_start3A_24] : memref<10000x64xf32, #tpu.memory_space<hbm>> -> memref<10000x64xf32, #tpu.memory_space<hbm>>
      tpu.enqueue_indirect_dma source(%dma_start3A_25 : memref<10000x64xf32, #tpu.memory_space<hbm>>) target(%arg9 : memref<125x64xf32, #tpu.memory_space<vmem>>) offsets(%dma_start3A_22 : memref<125xi32, #tpu.memory_space<vmem>>) semaphore(%arg11 : memref<!tpu.dma_semaphore, #tpu.memory_space<semaphore_mem>>)
      %dma_wait3A = arith.constant 0 : i32
      %dma_wait3A_26 = tpu.memref_slice %arg7[%scan3A_20, %dma_wait3A] : memref<40x125xi32, #tpu.memory_space<vmem>> -> memref<1x125xi32, #tpu.memory_space<vmem>>
      %dma_wait3A_27 = tpu.memref_squeeze %dma_wait3A_26 : memref<1x125xi32, #tpu.memory_space<vmem>> -> memref<125xi32, #tpu.memory_space<vmem>>
      %dma_wait3A_28 = arith.constant 0 : i32
      %dma_wait3A_29 = arith.constant 0 : i32
      %dma_wait3A_30 = tpu.memref_slice %arg4[%dma_wait3A_28, %dma_wait3A_29] : memref<10000x64xf32, #tpu.memory_space<hbm>> -> memref<10000x64xf32, #tpu.memory_space<hbm>>
      tpu.wait_indirect_dma semaphore(%arg11 : memref<!tpu.dma_semaphore, #tpu.memory_space<semaphore_mem>>) src(%dma_wait3A_30 : memref<10000x64xf32, #tpu.memory_space<hbm>>) dst(%arg9 : memref<125x64xf32, #tpu.memory_space<vmem>>)
      "tpu.region"() ({
        %run_scoped3A = tpu.sem_alloc : memref<!tpu.dma_semaphore, #tpu.memory_space<semaphore_mem>>
        %dma_start3A_31 = arith.constant 0 : i32
        %dma_start3A_32 = tpu.memref_slice %arg8[%scan3A_20, %dma_start3A_31] : memref<40x125xi32, #tpu.memory_space<vmem>> -> memref<1x125xi32, #tpu.memory_space<vmem>>
        %dma_start3A_33 = tpu.memref_squeeze %dma_start3A_32 : memref<1x125xi32, #tpu.memory_space<vmem>> -> memref<125xi32, #tpu.memory_space<vmem>>
        %dma_start3A_34 = arith.constant 0 : i32
        %dma_start3A_35 = arith.constant 0 : i32
        %dma_start3A_36 = tpu.memref_slice %arg10[%dma_start3A_34, %dma_start3A_35] : memref<10000x64xf32, #tpu.memory_space<vmem_shared>> -> memref<10000x64xf32, #tpu.memory_space<vmem_shared>>
        tpu.enqueue_indirect_dma source(%arg9 : memref<125x64xf32, #tpu.memory_space<vmem>>) target(%dma_start3A_36 : memref<10000x64xf32, #tpu.memory_space<vmem_shared>>) offsets(%dma_start3A_33 : memref<125xi32, #tpu.memory_space<vmem>>) semaphore(%run_scoped3A : memref<!tpu.dma_semaphore, #tpu.memory_space<semaphore_mem>>) {add = true}
        %dma_wait3A_37 = arith.constant 0 : i32
        %dma_wait3A_38 = tpu.memref_slice %arg8[%scan3A_20, %dma_wait3A_37] : memref<40x125xi32, #tpu.memory_space<vmem>> -> memref<1x125xi32, #tpu.memory_space<vmem>>
        %dma_wait3A_39 = tpu.memref_squeeze %dma_wait3A_38 : memref<1x125xi32, #tpu.memory_space<vmem>> -> memref<125xi32, #tpu.memory_space<vmem>>
        %dma_wait3A_40 = arith.constant 0 : i32
        %dma_wait3A_41 = arith.constant 0 : i32
        %dma_wait3A_42 = tpu.memref_slice %arg10[%dma_wait3A_40, %dma_wait3A_41] : memref<10000x64xf32, #tpu.memory_space<vmem_shared>> -> memref<10000x64xf32, #tpu.memory_space<vmem_shared>>
        tpu.wait_indirect_dma semaphore(%run_scoped3A : memref<!tpu.dma_semaphore, #tpu.memory_space<semaphore_mem>>) src(%arg9 : memref<125x64xf32, #tpu.memory_space<vmem>>) dst(%dma_wait3A_42 : memref<10000x64xf32, #tpu.memory_space<vmem_shared>>)
        tpu.yield
      }) : () -> ()
    }
    %scan3A_9 = arith.constant 40 : i32
    %barrier3A_10 = arith.constant 0 : index
    tpu.barrier barrier_id(%barrier3A_10)
    %mul3A_11 = arith.constant 624 : i32
    %mul3A_12 = arith.muli %arg1, %mul3A_11 : i32
    %mul3A_13 = arith.constant 624 : i32
    %mul3A_14 = arith.muli %arg1, %mul3A_13 : i32
    "tpu.region"() ({
      %run_scoped3A = tpu.sem_alloc : memref<!tpu.dma_semaphore, #tpu.memory_space<semaphore_mem>>
      %dma_start3A = arith.constant 0 : i32
      %dma_start3A_20 = tpu.memref_slice %arg6[%arg0, %mul3A_14, %dma_start3A] : memref<2x10000x64xf32, #tpu.memory_space<hbm>> -> memref<1x624x64xf32, #tpu.memory_space<hbm>>
      %dma_start3A_21 = tpu.memref_squeeze %dma_start3A_20 : memref<1x624x64xf32, #tpu.memory_space<hbm>> -> memref<624x64xf32, #tpu.memory_space<hbm>>
      %dma_start3A_22 = arith.constant 0 : i32
      %dma_start3A_23 = tpu.memref_slice %arg10[%mul3A_12, %dma_start3A_22] : memref<10000x64xf32, #tpu.memory_space<vmem_shared>> -> memref<624x64xf32, #tpu.memory_space<vmem_shared>>
      tpu.enqueue_dma source(%dma_start3A_23 : memref<624x64xf32, #tpu.memory_space<vmem_shared>>) target(%dma_start3A_21 : memref<624x64xf32, #tpu.memory_space<hbm>>) target_semaphore(%run_scoped3A : memref<!tpu.dma_semaphore, #tpu.memory_space<semaphore_mem>>)
      %dma_wait3A = arith.constant 0 : i32
      %dma_wait3A_24 = tpu.memref_slice %arg6[%arg0, %mul3A_14, %dma_wait3A] : memref<2x10000x64xf32, #tpu.memory_space<hbm>> -> memref<1x624x64xf32, #tpu.memory_space<hbm>>
      %dma_wait3A_25 = tpu.memref_squeeze %dma_wait3A_24 : memref<1x624x64xf32, #tpu.memory_space<hbm>> -> memref<624x64xf32, #tpu.memory_space<hbm>>
      %dma_wait3A_26 = arith.constant 0 : i32
      %dma_wait3A_27 = tpu.memref_slice %arg10[%mul3A_12, %dma_wait3A_26] : memref<10000x64xf32, #tpu.memory_space<vmem_shared>> -> memref<624x64xf32, #tpu.memory_space<vmem_shared>>
      tpu.wait_dma2 semaphore(%run_scoped3A : memref<!tpu.dma_semaphore, #tpu.memory_space<semaphore_mem>>) src(%dma_wait3A_27 : memref<624x64xf32, #tpu.memory_space<vmem_shared>>) dst(%dma_wait3A_25 : memref<624x64xf32, #tpu.memory_space<hbm>>)
      tpu.yield
    }) : () -> ()
    %eq3A_15 = arith.constant 0 : i32
    %eq3A_16 = arith.cmpi eq, %arg1, %eq3A_15 : i32
    %convert_element_type3A_17 = arith.extui %eq3A_16 : i1 to i32
    %cond3A_18 = arith.constant 0 : i32
    %cond3A_19 = arith.cmpi ne, %convert_element_type3A_17, %cond3A_18 : i32
    scf.if %cond3A_19 {
      "tpu.region"() ({
        %run_scoped3A = tpu.sem_alloc : memref<!tpu.dma_semaphore, #tpu.memory_space<semaphore_mem>>
        %dma_start3A = arith.constant 9984 : i32
        %dma_start3A_20 = arith.constant 0 : i32
        %dma_start3A_21 = tpu.memref_slice %arg6[%arg0, %dma_start3A, %dma_start3A_20] : memref<2x10000x64xf32, #tpu.memory_space<hbm>> -> memref<1x16x64xf32, #tpu.memory_space<hbm>>
        %dma_start3A_22 = tpu.memref_squeeze %dma_start3A_21 : memref<1x16x64xf32, #tpu.memory_space<hbm>> -> memref<16x64xf32, #tpu.memory_space<hbm>>
        %dma_start3A_23 = arith.constant 9984 : i32
        %dma_start3A_24 = arith.constant 0 : i32
        %dma_start3A_25 = tpu.memref_slice %arg10[%dma_start3A_23, %dma_start3A_24] : memref<10000x64xf32, #tpu.memory_space<vmem_shared>> -> memref<16x64xf32, #tpu.memory_space<vmem_shared>>
        tpu.enqueue_dma source(%dma_start3A_25 : memref<16x64xf32, #tpu.memory_space<vmem_shared>>) target(%dma_start3A_22 : memref<16x64xf32, #tpu.memory_space<hbm>>) target_semaphore(%run_scoped3A : memref<!tpu.dma_semaphore, #tpu.memory_space<semaphore_mem>>)
        %dma_wait3A = arith.constant 9984 : i32
        %dma_wait3A_26 = arith.constant 0 : i32
        %dma_wait3A_27 = tpu.memref_slice %arg6[%arg0, %dma_wait3A, %dma_wait3A_26] : memref<2x10000x64xf32, #tpu.memory_space<hbm>> -> memref<1x16x64xf32, #tpu.memory_space<hbm>>
        %dma_wait3A_28 = tpu.memref_squeeze %dma_wait3A_27 : memref<1x16x64xf32, #tpu.memory_space<hbm>> -> memref<16x64xf32, #tpu.memory_space<hbm>>
        %dma_wait3A_29 = arith.constant 9984 : i32
        %dma_wait3A_30 = arith.constant 0 : i32
        %dma_wait3A_31 = tpu.memref_slice %arg10[%dma_wait3A_29, %dma_wait3A_30] : memref<10000x64xf32, #tpu.memory_space<vmem_shared>> -> memref<16x64xf32, #tpu.memory_space<vmem_shared>>
        tpu.wait_dma2 semaphore(%run_scoped3A : memref<!tpu.dma_semaphore, #tpu.memory_space<semaphore_mem>>) src(%dma_wait3A_31 : memref<16x64xf32, #tpu.memory_space<vmem_shared>>) dst(%dma_wait3A_28 : memref<16x64xf32, #tpu.memory_space<hbm>>)
        tpu.yield
      }) : () -> ()
    } else {
    }
    return
  }
}

module attributes {stable_mosaic.version = 14 : i64} {
  func.func @_tc_scale1_body(%arg0: i32, %arg1: memref<2x1000x16xf32, #tpu.memory_space<vmem>>, %arg2: memref<1000x256xf32, #tpu.memory_space<vmem>>, %arg3: memref<256x64xf32, #tpu.memory_space<vmem>>, %arg4: memref<1000x64xf32, #tpu.memory_space<vmem>>) attributes {dimension_semantics = [#tpu.dimension_semantics<arbitrary>], iteration_bounds = array<i64: 10>, scalar_prefetch = 0 : i64, scratch_operands = 0 : i64, tpu.core_type = #tpu.core_type<tc>, window_params = [{transform_indices = @transform_0, window_bounds = array<i64: 2, 1000, 16>}, {transform_indices = @transform_1, window_bounds = array<i64: 1000, 256>}, {pipeline_mode = #tpu.pipeline_mode<synchronous>, transform_indices = @transform_2, window_bounds = array<i64: 256, 64>}, {transform_indices = @transform_3, window_bounds = array<i64: 1000, 64>}]} {
    %get3A = arith.constant 0 : index
    %get3A_0 = arith.constant 0 : index
    %get3A_1 = arith.constant 0 : index
    %get3A_2 = vector.load %arg1[%get3A, %get3A_0, %get3A_1] : memref<2x1000x16xf32, #tpu.memory_space<vmem>>, vector<1x1000x1xf32>
    %get3A_3 = vector.shape_cast %get3A_2 : vector<1x1000x1xf32> to vector<1000x1xf32>
    %get3A_4 = arith.constant 1 : index
    %get3A_5 = arith.constant 0 : index
    %get3A_6 = arith.constant 0 : index
    %get3A_7 = vector.load %arg1[%get3A_4, %get3A_5, %get3A_6] : memref<2x1000x16xf32, #tpu.memory_space<vmem>>, vector<1x1000x1xf32>
    %get3A_8 = vector.shape_cast %get3A_7 : vector<1x1000x1xf32> to vector<1000x1xf32>
    %add3A = arith.addf %get3A_3, %get3A_8 : vector<1000x1xf32>
    %add3A_9 = arith.constant 1.000000e+00 : f32
    %add3A_10 = vector.broadcast %add3A_9 : f32 to vector<1000x1xf32>
    %add3A_11 = arith.addf %add3A, %add3A_10 : vector<1000x1xf32>
    %rsqrt3A = math.rsqrt %add3A_11 : vector<1000x1xf32>
    %get3A_12 = arith.constant 0 : index
    %get3A_13 = arith.constant 0 : index
    %get3A_14 = vector.load %arg2[%get3A_12, %get3A_13] : memref<1000x256xf32, #tpu.memory_space<vmem>>, vector<1000x256xf32>
    %get3A_15 = arith.constant 0 : index
    %get3A_16 = arith.constant 0 : index
    %get3A_17 = vector.load %arg3[%get3A_15, %get3A_16] : memref<256x64xf32, #tpu.memory_space<vmem>>, vector<256x64xf32>
    %dot_general3A = arith.constant dense<0.000000e+00> : vector<1000x64xf32>
    %dot_general3A_18 = tpu.matmul %get3A_14, %get3A_17, %dot_general3A {dimension_numbers = #tpu.dot_dimension_numbers<[1], [0], [0], [1], [0, 0, 1, 1], [], []>, transpose_lhs_hint = false} : vector<1000x256xf32>, vector<256x64xf32>, vector<1000x64xf32> -> vector<1000x64xf32>
    %mul3A = vector.broadcast %rsqrt3A : vector<1000x1xf32> to vector<1000x64xf32>
    %mul3A_19 = arith.mulf %dot_general3A_18, %mul3A : vector<1000x64xf32>
    %swap3A = arith.constant 0 : index
    %swap3A_20 = arith.constant 0 : index
    %swap3A_21 = vector.load %arg4[%swap3A, %swap3A_20] : memref<1000x64xf32, #tpu.memory_space<vmem>>, vector<1000x64xf32>
    tpu.vector_store %arg4[%swap3A, %swap3A_20], %mul3A_19 {strides = array<i32>} : memref<1000x64xf32, #tpu.memory_space<vmem>>, vector<1000x64xf32>,
    return
  }
  func.func @transform_0(%arg0: i32) -> (i32, i32, i32) {
    %c0_i32 = arith.constant 0 : i32
    %c0_i32_0 = arith.constant 0 : i32
    %c0_i32_1 = arith.constant 0 : i32
    return %c0_i32, %arg0, %c0_i32_0 : i32, i32, i32
  }
  func.func @transform_1(%arg0: i32) -> (i32, i32) {
    %c0_i32 = arith.constant 0 : i32
    %c0_i32_0 = arith.constant 0 : i32
    return %arg0, %c0_i32 : i32, i32
  }
  func.func @transform_2(%arg0: i32) -> (i32, i32) {
    %c0_i32 = arith.constant 0 : i32
    %c0_i32_0 = arith.constant 0 : i32
    %c0_i32_1 = arith.constant 0 : i32
    return %c0_i32, %c0_i32_0 : i32, i32
  }
  func.func @transform_3(%arg0: i32) -> (i32, i32) {
    %c0_i32 = arith.constant 0 : i32
    %c0_i32_0 = arith.constant 0 : i32
    return %arg0, %c0_i32 : i32, i32
  }
}

module attributes {stable_mosaic.version = 14 : i64} {
  func.func @_tc_layer2_body(%arg0: i32, %arg1: memref<2x1000x16xf32, #tpu.memory_space<vmem>>, %arg2: memref<2x1000x64xf32, #tpu.memory_space<vmem>>, %arg3: memref<1000x64xf32, #tpu.memory_space<vmem>>, %arg4: memref<1x64xf32, #tpu.memory_space<vmem>>, %arg5: memref<64x64xf32, #tpu.memory_space<vmem>>, %arg6: memref<1000x64xf32, #tpu.memory_space<vmem>>) attributes {dimension_semantics = [#tpu.dimension_semantics<arbitrary>], iteration_bounds = array<i64: 10>, scalar_prefetch = 0 : i64, scratch_operands = 0 : i64, tpu.core_type = #tpu.core_type<tc>, window_params = [{transform_indices = @transform_0, window_bounds = array<i64: 2, 1000, 16>}, {transform_indices = @transform_1, window_bounds = array<i64: 2, 1000, 64>}, {transform_indices = @transform_2, window_bounds = array<i64: 1000, 64>}, {pipeline_mode = #tpu.pipeline_mode<synchronous>, transform_indices = @transform_3, window_bounds = array<i64: 1, 64>}, {pipeline_mode = #tpu.pipeline_mode<synchronous>, transform_indices = @transform_4, window_bounds = array<i64: 64, 64>}, {transform_indices = @transform_5, window_bounds = array<i64: 1000, 64>}]} {
    %get3A = arith.constant 0 : index
    %get3A_0 = arith.constant 0 : index
    %get3A_1 = arith.constant 0 : index
    %get3A_2 = vector.load %arg1[%get3A, %get3A_0, %get3A_1] : memref<2x1000x16xf32, #tpu.memory_space<vmem>>, vector<1x1000x1xf32>
    %get3A_3 = vector.shape_cast %get3A_2 : vector<1x1000x1xf32> to vector<1000x1xf32>
    %get3A_4 = arith.constant 1 : index
    %get3A_5 = arith.constant 0 : index
    %get3A_6 = arith.constant 0 : index
    %get3A_7 = vector.load %arg1[%get3A_4, %get3A_5, %get3A_6] : memref<2x1000x16xf32, #tpu.memory_space<vmem>>, vector<1x1000x1xf32>
    %get3A_8 = vector.shape_cast %get3A_7 : vector<1x1000x1xf32> to vector<1000x1xf32>
    %add3A = arith.addf %get3A_3, %get3A_8 : vector<1000x1xf32>
    %add3A_9 = arith.constant 1.000000e+00 : f32
    %add3A_10 = vector.broadcast %add3A_9 : f32 to vector<1000x1xf32>
    %add3A_11 = arith.addf %add3A, %add3A_10 : vector<1000x1xf32>
    %rsqrt3A = math.rsqrt %add3A_11 : vector<1000x1xf32>
    %get3A_12 = arith.constant 0 : index
    %get3A_13 = arith.constant 0 : index
    %get3A_14 = arith.constant 0 : index
    %get3A_15 = vector.load %arg2[%get3A_12, %get3A_13, %get3A_14] : memref<2x1000x64xf32, #tpu.memory_space<vmem>>, vector<1x1000x64xf32>
    %get3A_16 = vector.shape_cast %get3A_15 : vector<1x1000x64xf32> to vector<1000x64xf32>
    %get3A_17 = arith.constant 1 : index
    %get3A_18 = arith.constant 0 : index
    %get3A_19 = arith.constant 0 : index
    %get3A_20 = vector.load %arg2[%get3A_17, %get3A_18, %get3A_19] : memref<2x1000x64xf32, #tpu.memory_space<vmem>>, vector<1x1000x64xf32>
    %get3A_21 = vector.shape_cast %get3A_20 : vector<1x1000x64xf32> to vector<1000x64xf32>
    %add3A_22 = arith.addf %get3A_16, %get3A_21 : vector<1000x64xf32>
    %get3A_23 = arith.constant 0 : index
    %get3A_24 = arith.constant 0 : index
    %get3A_25 = vector.load %arg3[%get3A_23, %get3A_24] : memref<1000x64xf32, #tpu.memory_space<vmem>>, vector<1000x64xf32>
    %add3A_26 = arith.addf %add3A_22, %get3A_25 : vector<1000x64xf32>
    %mul3A = vector.broadcast %rsqrt3A : vector<1000x1xf32> to vector<1000x64xf32>
    %mul3A_27 = arith.mulf %add3A_26, %mul3A : vector<1000x64xf32>
    %get3A_28 = arith.constant 0 : index
    %get3A_29 = arith.constant 0 : index
    %get3A_30 = vector.load %arg4[%get3A_28, %get3A_29] : memref<1x64xf32, #tpu.memory_space<vmem>>, vector<1x64xf32>
    %add3A_31 = vector.broadcast %get3A_30 : vector<1x64xf32> to vector<1000x64xf32>
    %add3A_32 = arith.addf %mul3A_27, %add3A_31 : vector<1000x64xf32>
    %max3A = arith.constant 0.000000e+00 : f32
    %max3A_33 = vector.broadcast %max3A : f32 to vector<1000x64xf32>
    %max3A_34 = arith.maximumf %add3A_32, %max3A_33 : vector<1000x64xf32>
    %get3A_35 = arith.constant 0 : index
    %get3A_36 = arith.constant 0 : index
    %get3A_37 = vector.load %arg5[%get3A_35, %get3A_36] : memref<64x64xf32, #tpu.memory_space<vmem>>, vector<64x64xf32>
    %dot_general3A = arith.constant dense<0.000000e+00> : vector<1000x64xf32>
    %dot_general3A_38 = tpu.matmul %max3A_34, %get3A_37, %dot_general3A {dimension_numbers = #tpu.dot_dimension_numbers<[1], [0], [0], [1], [0, 0, 1, 1], [], []>, transpose_lhs_hint = false} : vector<1000x64xf32>, vector<64x64xf32>, vector<1000x64xf32> -> vector<1000x64xf32>
    %mul3A_39 = vector.broadcast %rsqrt3A : vector<1000x1xf32> to vector<1000x64xf32>
    %mul3A_40 = arith.mulf %dot_general3A_38, %mul3A_39 : vector<1000x64xf32>
    %swap3A = arith.constant 0 : index
    %swap3A_41 = arith.constant 0 : index
    %swap3A_42 = vector.load %arg6[%swap3A, %swap3A_41] : memref<1000x64xf32, #tpu.memory_space<vmem>>, vector<1000x64xf32>
    tpu.vector_store %arg6[%swap3A, %swap3A_41], %mul3A_40 {strides = array<i32>} : memref<1000x64xf32, #tpu.memory_space<vmem>>, vector<1000x64xf32>,
    return
  }
  func.func @transform_0(%arg0: i32) -> (i32, i32, i32) {
    %c0_i32 = arith.constant 0 : i32
    %c0_i32_0 = arith.constant 0 : i32
    %c0_i32_1 = arith.constant 0 : i32
    return %c0_i32, %arg0, %c0_i32_0 : i32, i32, i32
  }
  func.func @transform_1(%arg0: i32) -> (i32, i32, i32) {
    %c0_i32 = arith.constant 0 : i32
    %c0_i32_0 = arith.constant 0 : i32
    %c0_i32_1 = arith.constant 0 : i32
    return %c0_i32, %arg0, %c0_i32_0 : i32, i32, i32
  }
  func.func @transform_2(%arg0: i32) -> (i32, i32) {
    %c0_i32 = arith.constant 0 : i32
    %c0_i32_0 = arith.constant 0 : i32
    return %arg0, %c0_i32 : i32, i32
  }
  func.func @transform_3(%arg0: i32) -> (i32, i32) {
    %c0_i32 = arith.constant 0 : i32
    %c0_i32_0 = arith.constant 0 : i32
    %c0_i32_1 = arith.constant 0 : i32
    return %c0_i32, %c0_i32_0 : i32, i32
  }
  func.func @transform_4(%arg0: i32) -> (i32, i32) {
    %c0_i32 = arith.constant 0 : i32
    %c0_i32_0 = arith.constant 0 : i32
    %c0_i32_1 = arith.constant 0 : i32
    return %c0_i32, %c0_i32_0 : i32, i32
  }
  func.func @transform_5(%arg0: i32) -> (i32, i32) {
    %c0_i32 = arith.constant 0 : i32
    %c0_i32_0 = arith.constant 0 : i32
    return %arg0, %c0_i32 : i32, i32
  }
}

module attributes {stable_mosaic.version = 14 : i64} {
  func.func @_tc_h2_body(%arg0: i32, %arg1: memref<2x1000x16xf32, #tpu.memory_space<vmem>>, %arg2: memref<2x1000x64xf32, #tpu.memory_space<vmem>>, %arg3: memref<1000x64xf32, #tpu.memory_space<vmem>>, %arg4: memref<1x64xf32, #tpu.memory_space<vmem>>, %arg5: memref<1000x64xf32, #tpu.memory_space<vmem>>) attributes {dimension_semantics = [#tpu.dimension_semantics<arbitrary>], iteration_bounds = array<i64: 10>, scalar_prefetch = 0 : i64, scratch_operands = 0 : i64, tpu.core_type = #tpu.core_type<tc>, window_params = [{transform_indices = @transform_0, window_bounds = array<i64: 2, 1000, 16>}, {transform_indices = @transform_1, window_bounds = array<i64: 2, 1000, 64>}, {transform_indices = @transform_2, window_bounds = array<i64: 1000, 64>}, {pipeline_mode = #tpu.pipeline_mode<synchronous>, transform_indices = @transform_3, window_bounds = array<i64: 1, 64>}, {transform_indices = @transform_4, window_bounds = array<i64: 1000, 64>}]} {
    %get3A = arith.constant 0 : index
    %get3A_0 = arith.constant 0 : index
    %get3A_1 = arith.constant 0 : index
    %get3A_2 = vector.load %arg1[%get3A, %get3A_0, %get3A_1] : memref<2x1000x16xf32, #tpu.memory_space<vmem>>, vector<1x1000x1xf32>
    %get3A_3 = vector.shape_cast %get3A_2 : vector<1x1000x1xf32> to vector<1000x1xf32>
    %get3A_4 = arith.constant 1 : index
    %get3A_5 = arith.constant 0 : index
    %get3A_6 = arith.constant 0 : index
    %get3A_7 = vector.load %arg1[%get3A_4, %get3A_5, %get3A_6] : memref<2x1000x16xf32, #tpu.memory_space<vmem>>, vector<1x1000x1xf32>
    %get3A_8 = vector.shape_cast %get3A_7 : vector<1x1000x1xf32> to vector<1000x1xf32>
    %add3A = arith.addf %get3A_3, %get3A_8 : vector<1000x1xf32>
    %add3A_9 = arith.constant 1.000000e+00 : f32
    %add3A_10 = vector.broadcast %add3A_9 : f32 to vector<1000x1xf32>
    %add3A_11 = arith.addf %add3A, %add3A_10 : vector<1000x1xf32>
    %rsqrt3A = math.rsqrt %add3A_11 : vector<1000x1xf32>
    %get3A_12 = arith.constant 0 : index
    %get3A_13 = arith.constant 0 : index
    %get3A_14 = arith.constant 0 : index
    %get3A_15 = vector.load %arg2[%get3A_12, %get3A_13, %get3A_14] : memref<2x1000x64xf32, #tpu.memory_space<vmem>>, vector<1x1000x64xf32>
    %get3A_16 = vector.shape_cast %get3A_15 : vector<1x1000x64xf32> to vector<1000x64xf32>
    %get3A_17 = arith.constant 1 : index
    %get3A_18 = arith.constant 0 : index
    %get3A_19 = arith.constant 0 : index
    %get3A_20 = vector.load %arg2[%get3A_17, %get3A_18, %get3A_19] : memref<2x1000x64xf32, #tpu.memory_space<vmem>>, vector<1x1000x64xf32>
    %get3A_21 = vector.shape_cast %get3A_20 : vector<1x1000x64xf32> to vector<1000x64xf32>
    %add3A_22 = arith.addf %get3A_16, %get3A_21 : vector<1000x64xf32>
    %get3A_23 = arith.constant 0 : index
    %get3A_24 = arith.constant 0 : index
    %get3A_25 = vector.load %arg3[%get3A_23, %get3A_24] : memref<1000x64xf32, #tpu.memory_space<vmem>>, vector<1000x64xf32>
    %add3A_26 = arith.addf %add3A_22, %get3A_25 : vector<1000x64xf32>
    %mul3A = vector.broadcast %rsqrt3A : vector<1000x1xf32> to vector<1000x64xf32>
    %mul3A_27 = arith.mulf %add3A_26, %mul3A : vector<1000x64xf32>
    %get3A_28 = arith.constant 0 : index
    %get3A_29 = arith.constant 0 : index
    %get3A_30 = vector.load %arg4[%get3A_28, %get3A_29] : memref<1x64xf32, #tpu.memory_space<vmem>>, vector<1x64xf32>
    %add3A_31 = vector.broadcast %get3A_30 : vector<1x64xf32> to vector<1000x64xf32>
    %add3A_32 = arith.addf %mul3A_27, %add3A_31 : vector<1000x64xf32>
    %max3A = arith.constant 0.000000e+00 : f32
    %max3A_33 = vector.broadcast %max3A : f32 to vector<1000x64xf32>
    %max3A_34 = arith.maximumf %add3A_32, %max3A_33 : vector<1000x64xf32>
    %swap3A = arith.constant 0 : index
    %swap3A_35 = arith.constant 0 : index
    %swap3A_36 = vector.load %arg5[%swap3A, %swap3A_35] : memref<1000x64xf32, #tpu.memory_space<vmem>>, vector<1000x64xf32>
    tpu.vector_store %arg5[%swap3A, %swap3A_35], %max3A_34 {strides = array<i32>} : memref<1000x64xf32, #tpu.memory_space<vmem>>, vector<1000x64xf32>,
    return
  }
  func.func @transform_0(%arg0: i32) -> (i32, i32, i32) {
    %c0_i32 = arith.constant 0 : i32
    %c0_i32_0 = arith.constant 0 : i32
    %c0_i32_1 = arith.constant 0 : i32
    return %c0_i32, %arg0, %c0_i32_0 : i32, i32, i32
  }
  func.func @transform_1(%arg0: i32) -> (i32, i32, i32) {
    %c0_i32 = arith.constant 0 : i32
    %c0_i32_0 = arith.constant 0 : i32
    %c0_i32_1 = arith.constant 0 : i32
    return %c0_i32, %arg0, %c0_i32_0 : i32, i32, i32
  }
  func.func @transform_2(%arg0: i32) -> (i32, i32) {
    %c0_i32 = arith.constant 0 : i32
    %c0_i32_0 = arith.constant 0 : i32
    return %arg0, %c0_i32 : i32, i32
  }
  func.func @transform_3(%arg0: i32) -> (i32, i32) {
    %c0_i32 = arith.constant 0 : i32
    %c0_i32_0 = arith.constant 0 : i32
    %c0_i32_1 = arith.constant 0 : i32
    return %c0_i32, %c0_i32_0 : i32, i32
  }
  func.func @transform_4(%arg0: i32) -> (i32, i32) {
    %c0_i32 = arith.constant 0 : i32
    %c0_i32_0 = arith.constant 0 : i32
    return %arg0, %c0_i32 : i32, i32
  }
}

module attributes {stable_mosaic.version = 14 : i64} {
  func.func @_tc_head_body(%arg0: i32, %arg1: memref<1x16000xf32, #tpu.memory_space<vmem>>, %arg2: memref<16000x128xf32, #tpu.memory_space<vmem>>, %arg3: memref<1x128xf32, #tpu.memory_space<vmem>>, %arg4: memref<128x64xf32, #tpu.memory_space<vmem>>, %arg5: memref<1x64xf32, #tpu.memory_space<vmem>>, %arg6: memref<64x1xf32, #tpu.memory_space<vmem>>, %arg7: memref<1x1xf32, #tpu.memory_space<vmem>>, %arg8: memref<1x1xf32, #tpu.memory_space<vmem>>, %arg9: memref<1x128xf32, #tpu.memory_space<vmem>>) attributes {dimension_semantics = [#tpu.dimension_semantics<arbitrary>], iteration_bounds = array<i64: 40>, scalar_prefetch = 0 : i64, scratch_operands = 1 : i64, tpu.core_type = #tpu.core_type<tc>, window_params = [{transform_indices = @transform_0, window_bounds = array<i64: 1, 16000>}, {transform_indices = @transform_1, window_bounds = array<i64: 16000, 128>}, {pipeline_mode = #tpu.pipeline_mode<synchronous>, transform_indices = @transform_2, window_bounds = array<i64: 1, 128>}, {pipeline_mode = #tpu.pipeline_mode<synchronous>, transform_indices = @transform_3, window_bounds = array<i64: 128, 64>}, {pipeline_mode = #tpu.pipeline_mode<synchronous>, transform_indices = @transform_4, window_bounds = array<i64: 1, 64>}, {pipeline_mode = #tpu.pipeline_mode<synchronous>, transform_indices = @transform_5, window_bounds = array<i64: 64, 1>}, {pipeline_mode = #tpu.pipeline_mode<synchronous>, transform_indices = @transform_6, window_bounds = array<i64: 1, 1>}, {pipeline_mode = #tpu.pipeline_mode<synchronous>, transform_indices = @transform_7, window_bounds = array<i64: 1, 1>}]} {
    %eq3A = arith.constant 0 : i32
    %eq3A_0 = arith.cmpi eq, %arg0, %eq3A : i32
    %convert_element_type3A = arith.extui %eq3A_0 : i1 to i32
    %cond3A = arith.constant 0 : i32
    %cond3A_1 = arith.cmpi ne, %convert_element_type3A, %cond3A : i32
    scf.if %cond3A_1 {
      %broadcast_in_dim3A = arith.constant 0.000000e+00 : f32
      %broadcast_in_dim3A_18 = vector.broadcast %broadcast_in_dim3A : f32 to vector<1x128xf32>
      %swap3A_19 = arith.constant 0 : index
      %swap3A_20 = arith.constant 0 : index
      %swap3A_21 = vector.load %arg9[%swap3A_19, %swap3A_20] : memref<1x128xf32, #tpu.memory_space<vmem>>, vector<1x128xf32>
      tpu.vector_store %arg9[%swap3A_19, %swap3A_20], %broadcast_in_dim3A_18 {strides = array<i32>} : memref<1x128xf32, #tpu.memory_space<vmem>>, vector<1x128xf32>,
    } else {
    }
    %get3A = arith.constant 0 : index
    %get3A_2 = arith.constant 0 : index
    %get3A_3 = vector.load %arg9[%get3A, %get3A_2] : memref<1x128xf32, #tpu.memory_space<vmem>>, vector<1x128xf32>
    %get3A_4 = arith.constant 0 : index
    %get3A_5 = arith.constant 0 : index
    %get3A_6 = vector.load %arg1[%get3A_4, %get3A_5] : memref<1x16000xf32, #tpu.memory_space<vmem>>, vector<1x16000xf32>
    %get3A_7 = arith.constant 0 : index
    %get3A_8 = arith.constant 0 : index
    %get3A_9 = vector.load %arg2[%get3A_7, %get3A_8] : memref<16000x128xf32, #tpu.memory_space<vmem>>, vector<16000x128xf32>
    %dot_general3A = arith.constant dense<0.000000e+00> : vector<1x128xf32>
    %dot_general3A_10 = tpu.matmul %get3A_6, %get3A_9, %dot_general3A {dimension_numbers = #tpu.dot_dimension_numbers<[1], [0], [0], [1], [0, 0, 1, 1], [], []>, transpose_lhs_hint = false} : vector<1x16000xf32>, vector<16000x128xf32>, vector<1x128xf32> -> vector<1x128xf32>
    %add3A = arith.addf %get3A_3, %dot_general3A_10 : vector<1x128xf32>
    %swap3A = arith.constant 0 : index
    %swap3A_11 = arith.constant 0 : index
    %swap3A_12 = vector.load %arg9[%swap3A, %swap3A_11] : memref<1x128xf32, #tpu.memory_space<vmem>>, vector<1x128xf32>
    tpu.vector_store %arg9[%swap3A, %swap3A_11], %add3A {strides = array<i32>} : memref<1x128xf32, #tpu.memory_space<vmem>>, vector<1x128xf32>,
    %eq3A_13 = arith.constant 39 : i32
    %eq3A_14 = arith.cmpi eq, %arg0, %eq3A_13 : i32
    %convert_element_type3A_15 = arith.extui %eq3A_14 : i1 to i32
    %cond3A_16 = arith.constant 0 : i32
    %cond3A_17 = arith.cmpi ne, %convert_element_type3A_15, %cond3A_16 : i32
    scf.if %cond3A_17 {
      %get3A_18 = arith.constant 0 : index
      %get3A_19 = arith.constant 0 : index
      %get3A_20 = vector.load %arg9[%get3A_18, %get3A_19] : memref<1x128xf32, #tpu.memory_space<vmem>>, vector<1x128xf32>
      %get3A_21 = arith.constant 0 : index
      %get3A_22 = arith.constant 0 : index
      %get3A_23 = vector.load %arg3[%get3A_21, %get3A_22] : memref<1x128xf32, #tpu.memory_space<vmem>>, vector<1x128xf32>
      %add3A_24 = arith.addf %get3A_20, %get3A_23 : vector<1x128xf32>
      %max3A = arith.constant 0.000000e+00 : f32
      %max3A_25 = vector.broadcast %max3A : f32 to vector<1x128xf32>
      %max3A_26 = arith.maximumf %add3A_24, %max3A_25 : vector<1x128xf32>
      %get3A_27 = arith.constant 0 : index
      %get3A_28 = arith.constant 0 : index
      %get3A_29 = vector.load %arg4[%get3A_27, %get3A_28] : memref<128x64xf32, #tpu.memory_space<vmem>>, vector<128x64xf32>
      %dot_general3A_30 = arith.constant dense<0.000000e+00> : vector<1x64xf32>
      %dot_general3A_31 = tpu.matmul %max3A_26, %get3A_29, %dot_general3A_30 {dimension_numbers = #tpu.dot_dimension_numbers<[1], [0], [0], [1], [0, 0, 1, 1], [], []>, transpose_lhs_hint = false} : vector<1x128xf32>, vector<128x64xf32>, vector<1x64xf32> -> vector<1x64xf32>
      %get3A_32 = arith.constant 0 : index
      %get3A_33 = arith.constant 0 : index
      %get3A_34 = vector.load %arg5[%get3A_32, %get3A_33] : memref<1x64xf32, #tpu.memory_space<vmem>>, vector<1x64xf32>
      %add3A_35 = arith.addf %dot_general3A_31, %get3A_34 : vector<1x64xf32>
      %max3A_36 = arith.constant 0.000000e+00 : f32
      %max3A_37 = vector.broadcast %max3A_36 : f32 to vector<1x64xf32>
      %max3A_38 = arith.maximumf %add3A_35, %max3A_37 : vector<1x64xf32>
      %get3A_39 = arith.constant 0 : index
      %get3A_40 = arith.constant 0 : index
      %get3A_41 = vector.load %arg6[%get3A_39, %get3A_40] : memref<64x1xf32, #tpu.memory_space<vmem>>, vector<64x1xf32>
      %dot_general3A_42 = arith.constant dense<0.000000e+00> : vector<1x1xf32>
      %dot_general3A_43 = tpu.matmul %max3A_38, %get3A_41, %dot_general3A_42 {dimension_numbers = #tpu.dot_dimension_numbers<[1], [0], [0], [1], [0, 0, 1, 1], [], []>, precision = #tpu.contract_precision<fp32>, transpose_lhs_hint = false} : vector<1x64xf32>, vector<64x1xf32>, vector<1x1xf32> -> vector<1x1xf32>
      %get3A_44 = arith.constant 0 : index
      %get3A_45 = arith.constant 0 : index
      %get3A_46 = vector.load %arg7[%get3A_44, %get3A_45] : memref<1x1xf32, #tpu.memory_space<vmem>>, vector<1x1xf32>
      %add3A_47 = arith.addf %dot_general3A_43, %get3A_46 : vector<1x1xf32>
      %swap3A_48 = arith.constant 0 : index
      %swap3A_49 = arith.constant 0 : index
      %swap3A_50 = vector.load %arg8[%swap3A_48, %swap3A_49] : memref<1x1xf32, #tpu.memory_space<vmem>>, vector<1x1xf32>
      tpu.vector_store %arg8[%swap3A_48, %swap3A_49], %add3A_47 {strides = array<i32>} : memref<1x1xf32, #tpu.memory_space<vmem>>, vector<1x1xf32>,
    } else {
    }
    return
  }
  func.func @transform_0(%arg0: i32) -> (i32, i32) {
    %c0_i32 = arith.constant 0 : i32
    %c0_i32_0 = arith.constant 0 : i32
    return %c0_i32, %arg0 : i32, i32
  }
  func.func @transform_1(%arg0: i32) -> (i32, i32) {
    %c0_i32 = arith.constant 0 : i32
    %c0_i32_0 = arith.constant 0 : i32
    return %arg0, %c0_i32 : i32, i32
  }
  func.func @transform_2(%arg0: i32) -> (i32, i32) {
    %c0_i32 = arith.constant 0 : i32
    %c0_i32_0 = arith.constant 0 : i32
    %c0_i32_1 = arith.constant 0 : i32
    return %c0_i32, %c0_i32_0 : i32, i32
  }
  func.func @transform_3(%arg0: i32) -> (i32, i32) {
    %c0_i32 = arith.constant 0 : i32
    %c0_i32_0 = arith.constant 0 : i32
    %c0_i32_1 = arith.constant 0 : i32
    return %c0_i32, %c0_i32_0 : i32, i32
  }
  func.func @transform_4(%arg0: i32) -> (i32, i32) {
    %c0_i32 = arith.constant 0 : i32
    %c0_i32_0 = arith.constant 0 : i32
    %c0_i32_1 = arith.constant 0 : i32
    return %c0_i32, %c0_i32_0 : i32, i32
  }
  func.func @transform_5(%arg0: i32) -> (i32, i32) {
    %c0_i32 = arith.constant 0 : i32
    %c0_i32_0 = arith.constant 0 : i32
    %c0_i32_1 = arith.constant 0 : i32
    return %c0_i32, %c0_i32_0 : i32, i32
  }
  func.func @transform_6(%arg0: i32) -> (i32, i32) {
    %c0_i32 = arith.constant 0 : i32
    %c0_i32_0 = arith.constant 0 : i32
    %c0_i32_1 = arith.constant 0 : i32
    return %c0_i32, %c0_i32_0 : i32, i32
  }
  func.func @transform_7(%arg0: i32) -> (i32, i32) {
    %c0_i32 = arith.constant 0 : i32
    %c0_i32_0 = arith.constant 0 : i32
    %c0_i32_1 = arith.constant 0 : i32
    return %c0_i32, %c0_i32_0 : i32, i32
  }
}

</mosaic_0001>

<sc_bundles>
// kernel: kernel.12.cloned.1.call-start
scs
__scs_entry_jumppad:
0x0: {  	(pc) =	sbr.rel $0x88, $3  }
0x1: {  	(tag) =	ssettag $0x0;
	lr =	simm.s32 $0x1  }
0x2: {  	[smem:$0x3F95] =	sst lr;
	_ =	strace $0xD0000000  }
0x3: {  	_ = 	snop  }
0x4: {  	_ = 	snop  }
0x5: {  	_ = 	snop  }
0x6: {  	_ = 	snop  }
0x7: {  	_ = 	snop  }
__scs_overlays_trampoline_lowered:
0x8: {  	[smem:$0x3FA4] =	sst s0  }
0x9: {  	[smem:$0x3FA5] =	sst s1  }
0xa: {  	[smem:$0x3FA6] =	sst s2  }
0xb: {  	[smem:$0x3FA7] =	sst s3  }
0xc: {  	[smem:$0x3FA8] =	sst s4  }
0xd: {  	[smem:$0x3FA9] =	sst s5  }
0xe: {  	[smem:$0x3FAA] =	sst s6  }
0xf: {  	[smem:$0x3FAB] =	sst s7  }
0x10: {  	[smem:$0x3FAC] =	sst s8  }
0x11: {  	[smem:$0x3FAD] =	sst s9;
	s0 =	simm.s32 @!p0 $0x0  }
0x12: {  	s1 =	sld [smem:$0x3F93];
	s0 =	simm.s32 @p0 $0x1  }
0x13: {  	[smem:$0x3FAE] =	sst s0;
	s0 =	simm.s32 @!p1 $0x0  }
0x14: {  	s2 =	sld [smem:$0x3F92];
	s0 =	simm.s32 @p1 $0x1  }
0x15: {  	[smem:$0x3FAF] =	sst s0;
	s0 =	simm.s32 @!p2 $0x0  }
0x16: {  	s3 =	sld [smem:$0x3FDB];
	s0 =	simm.s32 @p2 $0x1  }
0x17: {  	s4 =	simm.s32 $0x1BF5;
	[smem:$0x3FB1] =	sst s0  }
0x18: {  	s0 =	sld [smem:$0x3F94];
	_ =	swait.ge [sflag:s4], $0x0  }
0x19: {  	s7 =	sld [smem:$0x3F95]  }
0x1a: {  	s8 =	sadd.s32 $0xFFFFE003, lr  }
0x1b: {  	s9 =	sadd.s32 $0xFFFFFEF7, lr;
	s5 =	simm.s32 $0xFFFFFFFF;
	p2 =	slt.u32 s8, $0xFFFFF086  }
0x1c: {  	p1 =	slt.u32 s9, $0xF7A;
	s5 =	simm.s32 @!p2 $0x0  }
0x1d: {  	s5 =	simm.s32 @p1 $0x1;
	p0 =	seq.s32 s7, s2  }
0x1e: {  	s7 =	smul.u32 @!p0 $0xF7A, s2;
	p2 =	seq.s32 @!p0 s5, $0x0  }
0x1f: {  	s9 =	smul.u32 $0xF7A, s1;
	s8 =	simm.s32 @!p0 $0x1BF5;
	p2 =	por !p2, p0  }
0x20: {  	[sflag:s8] =	ssyncset.s32 @!p0 $0xFFFFF086;
	s6 =	sadd.s32 @!p0 s3, s7;
	s7 =	simm.s32 @!p0 $0x108  }
0x21: {  	s3 =	sadd.s32 s3, s9;
	s6 =	sadd.s32 @!p0 $0x88, s6;
	s7 =	simm.s32 @p2 $0x1082  }
0x22: {  	[simem:s7], [sflag:s8] =	dma.local @!p0 [hbm:s6], $0xF7A  }
0x23: {  	s9 =	sor.u32 $0xD0000000, s2;
	s6 =	simm.s32 $0x108;
	_ =	swait.ge @!p0 [sflag:s8], $0x0  }
0x24: {  	s3 =	sadd.s32 $0x88, s3;
	s6 =	simm.s32 @!p1 $0x1082;
	[sflag:s4] =	ssyncset.s32 $0xFFFFF086  }
0x25: {  	[simem:s6], [sflag:s4] =	dma.local [hbm:s3], $0xF7A  }
0x26: {  	[smem:$0x3F95] =	sst s1;
	(tag) =	ssettag s2;
	_ =	strace s9  }
0x27: {  	s1 =	sld [smem:$0x3FA5]  }
0x28: {  	s2 =	sld [smem:$0x3FA6]  }
0x29: {  	s4 =	sld [smem:$0x3FA8]  }
0x2a: {  	p0 =	seq.s32 s5, $0x0;
	s5 =	sld [smem:$0x3FA9]  }
0x2b: {  	s6 =	sld [smem:$0x3FAA]  }
0x2c: {  	s7 =	sld [smem:$0x3FAB]  }
0x2d: {  	s3 =	simm.s32 $0x108;
	s8 =	sld [smem:$0x3FAC]  }
0x2e: {  	s3 =	simm.s32 @!p0 $0x1082;
	s9 =	sld [smem:$0x3FAD]  }
0x2f: {  	lr =	sadd.s32 s0, s3;
	s0 =	sld [smem:$0x3FA4]  }
0x30: {  	s3 =	sld [smem:$0x3FA7]  }
0x31: {  	[smem:$0x3FB0] =	sst s10  }
0x32: {  	s10 =	sld [smem:$0x3FAE];
	_ =	sdelay $0x3  }
0x33: {  	p0 =	seq.s32 s10, $0x1;
	s10 =	sld [smem:$0x3FB0];
	_ =	sdelay $0x3  }
0x34: {  	[smem:$0x3FB0] =	sst s10  }
0x35: {  	s10 =	sld [smem:$0x3FAF];
	_ =	sdelay $0x3  }
0x36: {  	p1 =	seq.s32 s10, $0x1;
	s10 =	sld [smem:$0x3FB0];
	_ =	sdelay $0x3  }
0x37: {  	[smem:$0x3FB0] =	sst s10  }
0x38: {  	s10 =	sld [smem:$0x3FB1]  }
0x39: {  	_ = 	snop;
	(pc) =	sbr.ind lr, $3  }
0x3a: {  	_ = 	snop  }
0x3b: {  	_ = 	snop  }
0x3c: {  	p2 =	seq.s32 s10, $0x1;
	s10 =	sld [smem:$0x3FB0]  }
0x3d: {  	_ =	shalt  }
0x3e: {  	_ =	shalt  }
0x3f: {  	_ =	shalt  }
0x40: {  	_ =	shalt  }
0x41: {  	_ =	shalt  }
0x42: {  	_ =	shalt  }
0x43: {  	_ =	shalt  }
0x44: {  	_ =	shalt  }
0x45: {  	_ =	shalt  }
0x46: {  	_ =	shalt  }
0x47: {  	_ =	shalt  }
0x48: {  	_ =	shalt  }
0x49: {  	_ =	shalt  }
0x4a: {  	_ =	shalt  }
0x4b: {  	_ =	shalt  }
0x4c: {  	_ =	shalt  }
0x4d: {  	_ =	shalt  }
0x4e: {  	_ =	shalt  }
0x4f: {  	_ =	shalt  }
0x50: {  	_ =	shalt  }
0x51: {  	_ =	shalt  }
0x52: {  	_ =	shalt  }
0x53: {  	_ =	shalt  }
0x54: {  	_ =	shalt  }
0x55: {  	_ =	shalt  }
0x56: {  	_ =	shalt  }
0x57: {  	_ =	shalt  }
0x58: {  	_ =	shalt  }
0x59: {  	_ =	shalt  }
0x5a: {  	_ =	shalt  }
0x5b: {  	_ =	shalt  }
0x5c: {  	_ =	shalt  }
0x5d: {  	_ =	shalt  }
0x5e: {  	_ =	shalt  }
0x5f: {  	_ =	shalt  }
0x60: {  	_ =	shalt  }
0x61: {  	_ =	shalt  }
0x62: {  	_ =	shalt  }
0x63: {  	_ =	shalt  }
0x64: {  	_ =	shalt  }
0x65: {  	_ =	shalt  }
0x66: {  	_ =	shalt  }
0x67: {  	_ =	shalt  }
0x68: {  	_ =	shalt  }
0x69: {  	_ =	shalt  }
0x6a: {  	_ =	shalt  }
0x6b: {  	_ =	shalt  }
0x6c: {  	_ =	shalt  }
0x6d: {  	_ =	shalt  }
0x6e: {  	_ =	shalt  }
0x6f: {  	_ =	shalt  }
0x70: {  	_ =	shalt  }
0x71: {  	_ =	shalt  }
0x72: {  	_ =	shalt  }
0x73: {  	_ =	shalt  }
0x74: {  	_ =	shalt  }
0x75: {  	_ =	shalt  }
0x76: {  	_ =	shalt  }
0x77: {  	_ =	shalt  }
0x78: {  	_ =	shalt  }
0x79: {  	_ =	shalt  }
0x7a: {  	_ =	shalt  }
0x7b: {  	_ =	shalt  }
0x7c: {  	_ =	shalt  }
0x7d: {  	_ =	shalt  }
0x7e: {  	_ =	shalt  }
0x7f: {  	_ =	shalt  }
0x80: {  	_ =	shalt  }
0x81: {  	_ =	shalt  }
0x82: {  	_ =	shalt  }
0x83: {  	_ =	shalt  }
0x84: {  	_ =	shalt  }
0x85: {  	_ =	shalt  }
0x86: {  	_ =	shalt  }
0x87: {  	_ =	shalt  }
.Lfunc_end0:
.L_simem_size_0:
called_computation.1_lowered:
.L_overlay_start_0:
0x88: {  	s2 =	sld [smem:$0x3FD9]  }
0x89: {  	s3 =	sld [smem:$0x3FFE];
	_ =	sdelay $0x1  }
0x8a: {  	s1 =	srdreg.scid  }
0x8b: {  	s0 =	sand.u32 $0x1, s1  }
0x8c: {  	s16 =	sshll.u32 s0, $0xA;
	s2 =	sadd.s32 s3, s2  }
0x8d: {  	s2 =	sadd.s32 s2, s16  }
0x8e: {  	[smem:$0x3FBC] =	sst s2  }
0x8f: {  	_ = 	snop  }
0x90: {  	(tm) =	ssettm $0x1  }
0x91: {  	s17 =	sld [smem:$0x3FFB];
	_ =	sdelay $0x3  }
0x92: {  	_ =	strace s17  }
0x93: {  	s2 =	sld [smem:$0x3FFC];
	_ =	sdelay $0x3  }
0x94: {  	_ =	strace s2  }
0x95: {  	s2 =	sld [smem:$0x3FFD];
	_ =	sdelay $0x3  }
0x96: {  	_ =	strace s2  }
0x97: {  	_ =	strace $0x8FFFFFFF  }
0x98: {  	s18 =	sld [smem:$0x3FDB];
	_ =	sdelay $0x1  }
0x99: {  	s19 =	simm.s32 $_scs_section_size  }
0x9a: {  	s4 =	simm.s32 $_size__tile_overlayer_lowered;
	s5 =	simm.s32 $_tile_overlayer_lowered  }
0x9b: {  	s22 =	simm.s32 $0x1BFF;
	s21 =	sshll.u32 s5, $0x1;
	s2 =	sadd.s32 s19, s18  }
0x9c: {  	s6 =	simm.s32 $0x0;
	s20 =	sshll.u32 s4, $0x1;
	s4 =	sadd.s32 s21, s2  }
0x9d: {  	[timem:s6], [sflag:s22] =	dma.local [hbm:s4], s20  }
0x9e: {  	_ =	swait.ge [sflag:s22], s20  }
0x9f: {  	s3 =	ssub.s32 $0x0, s20;
	[sflag:s22] =	ssyncset.done $0x0  }
0xa0: {  	[sflag:s22] =	ssyncadd.s32 s3;
	_ =	sdelay $0x1  }
0xa1: {  	s23 =	simm.s32 $0x1B8B  }
0xa2: {  	_ =	swait.ge [sflag:s23], $0x1  }
0xa3: {  	[sflag:s23] =	ssyncset.done $0x0  }
0xa4: {  	s25 =	simm.s32 $0x1B8E;
	s24 =	sld [smem:$0x3FFE];
	[sflag:s23] =	ssyncadd.s32 $0xFFFFFFFF  }
0xa5: {  	s26 =	simm.s32 $execute0_lowered;
	[smem:$0x3FD2] =	sst s25  }
0xa6: {  	s4 =	sshll.u32 s26, $0x1;
	_ =	strace $0x80000049;
	[dreg:$0x1] =	wrdreg $0xFFFFFFFF  }
0xa7: {  	s28 =	simm.s32 $_size_execute0_lowered;
	s2 =	sadd.s32 s2, s4;
	[dreg:$0x0] =	wrdreg $0x0  }
0xa8: {  	s4 =	sshll.u32 s28, $0x1;
	[dreg:$0x2] =	wrdreg s2  }
0xa9: {  	[dreg:$0x3] =	wrdreg s4  }
0xaa: {  	[dreg:$0x4] =	wrdreg $0xC0  }
0xab: {  	_ =	task [dreg:s6], $0x5FFFF  }
0xac: {  	[dreg:$0x1] =	wrdreg $0xFFFFFFFF  }
0xad: {  	[dreg:$0x0] =	wrdreg $0x60  }
0xae: {  	[dreg:$0x2] =	wrdreg s24  }
0xaf: {  	[dreg:$0x3] =	wrdreg $0x47400  }
0xb0: {  	[dreg:$0x4] =	wrdreg $0x9  }
0xb1: {  	_ =	task.clear_ibuf [dreg:s6], $0x5FFFF;
	_ =	strace $0x90000049  }
0xb2: {  	s29 =	simm.s32 $0x9;
	_ =	strace $0x8000004B  }
0xb3: {  	_ =	swait.ge [sflag:s29], $0x1  }
0xb4: {  	[sflag:s29] =	ssyncadd.s32 $0xFFFFFFFF  }
0xb5: {  	_ =	strace $0x9000004B  }
0xb6: {  	_ =	sfence  }
0xb7: {  	s30 =	sld [smem:$0x0];
	_ =	sdelay $0x2  }
0xb8: {  	s31 =	sshll.u32 s1, $0xD;
	s1 =	sshrl.u32 s1, $0x2  }
0xb9: {  	s3 =	sand.u32 $0x4000, s31;
	s1 =	sadd.s32 s1, s30  }
0xba: {  	s0 =	sor.u32 s3, s0;
	s1 =	sshll.u32 s1, $0x11  }
0xbb: {  	s0 =	sor.u32 s1, s0  }
0xbc: {  	s0 =	sadd.s32 $0x8F2B, s0  }
0xbd: {  	[sflag:s0] =	ssyncadd.remote.s32 $0x1  }
0xbe: {  	_ =	sfence.sel $0xFFFF  }
0xbf: {  	[dreg:$0x0] =	wrdreg $0xFFFFFFFF;
	(pc) =	sbr.abs _section_cstart, $3  }
0xc0: {  	[dreg:$0x1] =	wrdreg $0xFFFFFFFF  }
0xc1: {  	_ =	task.clear_ibuf [dreg:s6], $0x2FFFF;
	_ =	strace $0x9FFFFFFF  }
0xc2: {  	(tm) =	ssettm $0x7FFFFFFF  }
0xc3: {  	_ =	shalt  }
tec
execute0_lowered:
.L_overlay_start_1:
0x0: {  	(tag) =	ssettag $0x1  }
0x1: {  	s0 =	srdreg.scid;
	s5 =	rddreg [dreg:$0x0]  }
0x2: {  	s10 =	stileid.u32;
	s1 =	rddreg [dreg:$0x1]  }
0x3: {  	s2 =	simm.s32 $0x0;
	s16 =	simm.s32 $0x2800;
	s17 =	simm.s32 $0x1  }
0x4: {  	s18 =	simm.s32 $0x0;
	s6 =	sand.u32 $0x1, s0;
	s0 =	rddreg [dreg:$0x2]  }
0x5: {  	s28 =	sshll.u32 s10, $0x1;
	[smem:$0x7FF] =	sst s2;
	s9 =	smul.u32 $0x9C00, s10  }
0x6: {  	s4 =	sadd.s32 $0x6400, s5;
	s13 =	sadd.s32 $0x29400, s5;
	s15 =	sadd.s32 $0x9C000, s1  }
0x7: {  	p0 =	sne.s32 s10, $0x0;
	s31 =	sshll.u32 s10, $0x6;
	s10 =	simm.s32 $0x2  }
0x8: {  	s3 =	sor.u32 s6, s28;
	s8 =	ssub.s32 $0x2, s6;
	s12 =	smul.u32 $0x9C400, s6  }
0x9: {  	_ =	strace $0x8000004A;
	s3 =	smul.u32 $0x280, s3;
	s11 =	sshrl.u32 s8, $0x1  }
0xa: {  	s14 =	sadd.s32 s9, s1;
	s11 =	ssub.s32 s8, s11;
	s29 =	sadd.s32 s9, s12  }
0xb: {  	s30 =	sshrl.u32 s12, $0x3;
	s12 =	sor.u32 $0x1C02, s31;
	s7 =	sadd.s32 s3, s5  }
0xc: {  	s3 =	sadd.s32 $0x15A00, s5;
	s8 =	sadd.s32 s13, s30;
	s9 =	smax.u32 s11, $0x1  }
0xd: {  	s5 =	sadd.s32 $0x10A00, s7;
	s6 =	sadd.s32 $0x1400, s7;
	s7 =	sshrl.u32 s29, $0x3  }
0xe: {  	s11 =	simm.s32 $0x1400;
	s8 =	sadd.s32 $0x13800, s8;
	s7 =	sadd.s32 s13, s7  }
0xf: {  	s13 =	sshrl.u32 s14, $0x3;
	s14 =	sshrl.u32 @!p0 s15, $0x3;
	s15 =	simm.s32 $0x7D  }
.LBB2_1:
0x10: {  	[tilespmem:s2], [sflag:$0x2] =	stream.linear.gather [hbm4b:s5+s2], $0x1400, $0x38;
	[tilespmem:$0xE380] =	vst v63  }
0x11: {  	_ =	swait.ge [sflag:s10], $0x1400  }
0x12: {  	[sflag:s10] =	ssyncset.done $0x0  }
0x13: {  	[sflag:s10] =	ssyncadd.s32 $0xFFFFEC00  }
0x14: {  	[tilespmem:s11], [sflag:$0x2] =	stream.linear.gather [hbm4b:s6+s2], $0x1400, $0x38;
	[tilespmem:$0xE380] =	vst v63  }
0x15: {  	_ =	swait.ge [sflag:s10], $0x1400  }
0x16: {  	[sflag:s10] =	ssyncset.done $0x0  }
0x17: {  	[sflag:s10] =	ssyncadd.s32 $0xFFFFEC00  }
0x18: {  	[spmem:s13], [sflag:s12] =	dma.local [hbm:s4], $0x1380  }
0x19: {  	_ =	swait.ge [sflag:s10], $0x1380  }
0x1a: {  	[sflag:s10] =	ssyncset.done $0x0  }
0x1b: {  	s19 =	simm.s32 @!p0 $0x2;
	[sflag:s10] =	ssyncadd.s32 $0xFFFFEC80  }
0x1c: {  	[spmem:s14], [sflag:s12] =	dma.local @!p0 [hbm:s4], $0x80  }
0x1d: {  	_ =	swait.ge @!p0 [sflag:s19], $0x80  }
0x1e: {  	[sflag:s19] =	ssyncset.done @!p0 $0x0  }
0x1f: {  	[sflag:s19] =	ssyncadd.s32 @!p0 $0xFFFFFF80  }
0x20: {  	s30 =	simm.s32 $0x0;
	[bflag:$0x0] =	sbarrier.arrive $0xFFFF  }
0x21: {  	[tilespmem:s16], [sflag:$0x1] =	stream.indirect.gather [hbm4b:s3+s15], $0x40, s30, s15, $0xb8;
	[tilespmem:$0xE380] =	vst v63  }
0x22: {  	_ =	swait.ge [sflag:s17], $0x1F40  }
0x23: {  	[sflag:s17] =	ssyncset.done $0x0  }
0x24: {  	s31 =	simm.s32 $0x1400;
	[sflag:s17] =	ssyncadd.s32 $0xFFFFE0C0  }
0x25: {  	[spmem:s1] =	stream.indirect.scatter.add.f32 [tilespmem:s16], [sflag:$0x2], $0x40, s31, s15, $0xb8;
	[tilespmem:$0xE380] =	vst v63  }
0x26: {  	_ =	swait.ge [sflag:s10], $0x1F40  }
0x27: {  	s20 =	simm.s32 $0x400;
	s19 =	simm.s32 $0x200;
	[sflag:s10] =	ssyncset.done $0x0  }
.LBB2_2:
0x28: {  	s21 =	sshra.s32 s19, $0x2  }
0x29: {  	[sflag:s10] =	ssyncadd.s32 $0xFFFFE0C0;
	s19 =	smov.u32 s20;
	s22 =	sadd.s32 $0x200, s20  }
0x2a: {  	[tilespmem:s16], [sflag:$0x1] =	stream.indirect.gather [hbm4b:s3+s15], $0x40, s21, s15, $0xb8;
	[tilespmem:$0xE380] =	vst v63  }
0x2b: {  	p1 =	sne.s32 s20, $0x4E00;
	_ =	swait.ge [sflag:s17], $0x1F40  }
.Ltmp0:
0x2c: {  	[sflag:s17] =	ssyncset.done $0x0;
	(pc) =	sbr.rel @p1 .LBB2_2-.Ltmp0, $4  }
0x2d: {  	s20 =	sadd.s32 $0x1400, s21;
	[sflag:s17] =	ssyncadd.s32 $0xFFFFE0C0  }
0x2e: {  	[spmem:s1] =	stream.indirect.scatter.add.f32 [tilespmem:s16], [sflag:$0x2], $0x40, s20, s15, $0xb8;
	[tilespmem:$0xE380] =	vst v63  }
0x2f: {  	_ =	swait.ge [sflag:s10], $0x1F40  }
0x30: {  	s20 =	smov.u32 s22;
	[sflag:s10] =	ssyncset.done $0x0  }
0x31: {  	s19 =	sshra.s32 s19, $0x2;
	[sflag:s10] =	ssyncadd.s32 $0xFFFFE0C0  }
0x32: {  	[tilespmem:s16], [sflag:$0x1] =	stream.indirect.gather [hbm4b:s3+s15], $0x40, s19, s15, $0xb8;
	[tilespmem:$0xE380] =	vst v63  }
0x33: {  	_ =	swait.ge [sflag:s17], $0x1F40  }
0x34: {  	[sflag:s17] =	ssyncset.done $0x0  }
0x35: {  	s19 =	sadd.s32 $0x1400, s19;
	[sflag:s17] =	ssyncadd.s32 $0xFFFFE0C0  }
0x36: {  	[spmem:s1] =	stream.indirect.scatter.add.f32 [tilespmem:s16], [sflag:$0x2], $0x40, s19, s15, $0xb8;
	[tilespmem:$0xE380] =	vst v63  }
0x37: {  	_ =	swait.ge [sflag:s10], $0x1F40  }
0x38: {  	[sflag:s10] =	ssyncset.done $0x0  }
0x39: {  	[sflag:s10] =	ssyncadd.s32 $0xFFFFE0C0  }
0x3a: {  	[bflag:$0x0] =	sbarrier.arrive $0xFFFF  }
0x3b: {  	[hbm:s7], [sflag:s12] =	dma.local [spmem:s13], $0x1380  }
0x3c: {  	s18 =	sadd.s32 $0x1, s18;
	_ =	swait.ge [sflag:s10], $0x1380  }
0x3d: {  	p1 =	sne.s32 s18, s9;
	[sflag:s10] =	ssyncset.done $0x0  }
.Ltmp1:
0x3e: {  	s19 =	simm.s32 @!p0 $0x2;
	[sflag:s10] =	ssyncadd.s32 $0xFFFFEC80;
	(pc) =	sbr.rel @p1 .LBB2_1-.Ltmp1, $4  }
0x3f: {  	[hbm:s8], [sflag:s12] =	dma.local @!p0 [spmem:s14], $0x80  }
0x40: {  	_ =	swait.ge @!p0 [sflag:s19], $0x80  }
0x41: {  	[sflag:s19] =	ssyncset.done @!p0 $0x0  }
0x42: {  	[sflag:s19] =	ssyncadd.s32 @!p0 $0xFFFFFF80  }
0x43: {  	_ =	sfence.sel $0x180000  }
0x44: {  	[bflag:$0x0] =	sbarrier.arrive $0xFFFF  }
0x45: {  	_ =	strace $0x9000004A  }
0x46: {  	s0 =	sadd.s32 @!p0 $0x100000, s0;
	[bflag:$0x2] =	sbarrier.arrive $0xFFFF  }
0x47: {  	[sflag:s0] =	ssyncadd.tile.s32 @!p0 $0x1;
	_ =	shalt  }
.Lfunc_end2:
_tile_overlayer_lowered:
.L_overlay_start_2:
0x48: {  	(tag) =	ssettag $0x2  }
0x49: {  	s0 =	rddreg [dreg:$0x0];
	s2 =	stileid.u32  }
0x4a: {  	s1 =	rddreg [dreg:$0x1];
	p0 =	sne.s32 s2, $0x0  }
0x4b: {  	s3 =	rddreg [dreg:$0x2];
	[bflag:$0x3] =	sbarrier.arrive $0xFFFF;
	s2 =	simm.s32 @!p0 $0x1C02  }
0x4c: {  	[timem:s3], [sflag:s2] =	dma.local @!p0 [hbm:s0], s1  }
0x4d: {  	s0 =	simm.s32 @!p0 $0x2  }
0x4e: {  	_ =	swait.ge @!p0 [sflag:s0], s1  }
0x4f: {  	s1 =	ssub.s32 @!p0 $0x0, s1;
	[sflag:s0] =	ssyncset.done @!p0 $0x0  }
0x50: {  	[sflag:s0] =	ssyncadd.s32 @!p0 s1  }
0x51: {  	[bflag:$0x3] =	sbarrier.arrive $0xFFFF  }
0x52: {  	_ =	shalt  }

// kernel: kernel.15.cloned.1.call-start
scs
__scs_entry_jumppad:
0x0: {  	(pc) =	sbr.rel $0x88, $3  }
0x1: {  	(tag) =	ssettag $0x0;
	lr =	simm.s32 $0x1  }
0x2: {  	[smem:$0x3F95] =	sst lr;
	_ =	strace $0xD0000000  }
0x3: {  	_ = 	snop  }
0x4: {  	_ = 	snop  }
0x5: {  	_ = 	snop  }
0x6: {  	_ = 	snop  }
0x7: {  	_ = 	snop  }
__scs_overlays_trampoline_lowered:
0x8: {  	[smem:$0x3FA4] =	sst s0  }
0x9: {  	[smem:$0x3FA5] =	sst s1  }
0xa: {  	[smem:$0x3FA6] =	sst s2  }
0xb: {  	[smem:$0x3FA7] =	sst s3  }
0xc: {  	[smem:$0x3FA8] =	sst s4  }
0xd: {  	[smem:$0x3FA9] =	sst s5  }
0xe: {  	[smem:$0x3FAA] =	sst s6  }
0xf: {  	[smem:$0x3FAB] =	sst s7  }
0x10: {  	[smem:$0x3FAC] =	sst s8  }
0x11: {  	[smem:$0x3FAD] =	sst s9;
	s0 =	simm.s32 @!p0 $0x0  }
0x12: {  	s1 =	sld [smem:$0x3F93];
	s0 =	simm.s32 @p0 $0x1  }
0x13: {  	[smem:$0x3FAE] =	sst s0;
	s0 =	simm.s32 @!p1 $0x0  }
0x14: {  	s2 =	sld [smem:$0x3F92];
	s0 =	simm.s32 @p1 $0x1  }
0x15: {  	[smem:$0x3FAF] =	sst s0;
	s0 =	simm.s32 @!p2 $0x0  }
0x16: {  	s3 =	sld [smem:$0x3FDB];
	s0 =	simm.s32 @p2 $0x1  }
0x17: {  	s4 =	simm.s32 $0x1BF5;
	[smem:$0x3FB1] =	sst s0  }
0x18: {  	s0 =	sld [smem:$0x3F94];
	_ =	swait.ge [sflag:s4], $0x0  }
0x19: {  	s7 =	sld [smem:$0x3F95]  }
0x1a: {  	s8 =	sadd.s32 $0xFFFFE003, lr  }
0x1b: {  	s9 =	sadd.s32 $0xFFFFFEF7, lr;
	s5 =	simm.s32 $0xFFFFFFFF;
	p2 =	slt.u32 s8, $0xFFFFF086  }
0x1c: {  	p1 =	slt.u32 s9, $0xF7A;
	s5 =	simm.s32 @!p2 $0x0  }
0x1d: {  	s5 =	simm.s32 @p1 $0x1;
	p0 =	seq.s32 s7, s2  }
0x1e: {  	s7 =	smul.u32 @!p0 $0xF7A, s2;
	p2 =	seq.s32 @!p0 s5, $0x0  }
0x1f: {  	s9 =	smul.u32 $0xF7A, s1;
	s8 =	simm.s32 @!p0 $0x1BF5;
	p2 =	por !p2, p0  }
0x20: {  	[sflag:s8] =	ssyncset.s32 @!p0 $0xFFFFF086;
	s6 =	sadd.s32 @!p0 s3, s7;
	s7 =	simm.s32 @!p0 $0x108  }
0x21: {  	s3 =	sadd.s32 s3, s9;
	s6 =	sadd.s32 @!p0 $0x88, s6;
	s7 =	simm.s32 @p2 $0x1082  }
0x22: {  	[simem:s7], [sflag:s8] =	dma.local @!p0 [hbm:s6], $0xF7A  }
0x23: {  	s9 =	sor.u32 $0xD0000000, s2;
	s6 =	simm.s32 $0x108;
	_ =	swait.ge @!p0 [sflag:s8], $0x0  }
0x24: {  	s3 =	sadd.s32 $0x88, s3;
	s6 =	simm.s32 @!p1 $0x1082;
	[sflag:s4] =	ssyncset.s32 $0xFFFFF086  }
0x25: {  	[simem:s6], [sflag:s4] =	dma.local [hbm:s3], $0xF7A  }
0x26: {  	[smem:$0x3F95] =	sst s1;
	(tag) =	ssettag s2;
	_ =	strace s9  }
0x27: {  	s1 =	sld [smem:$0x3FA5]  }
0x28: {  	s2 =	sld [smem:$0x3FA6]  }
0x29: {  	s4 =	sld [smem:$0x3FA8]  }
0x2a: {  	p0 =	seq.s32 s5, $0x0;
	s5 =	sld [smem:$0x3FA9]  }
0x2b: {  	s6 =	sld [smem:$0x3FAA]  }
0x2c: {  	s7 =	sld [smem:$0x3FAB]  }
0x2d: {  	s3 =	simm.s32 $0x108;
	s8 =	sld [smem:$0x3FAC]  }
0x2e: {  	s3 =	simm.s32 @!p0 $0x1082;
	s9 =	sld [smem:$0x3FAD]  }
0x2f: {  	lr =	sadd.s32 s0, s3;
	s0 =	sld [smem:$0x3FA4]  }
0x30: {  	s3 =	sld [smem:$0x3FA7]  }
0x31: {  	[smem:$0x3FB0] =	sst s10  }
0x32: {  	s10 =	sld [smem:$0x3FAE];
	_ =	sdelay $0x3  }
0x33: {  	p0 =	seq.s32 s10, $0x1;
	s10 =	sld [smem:$0x3FB0];
	_ =	sdelay $0x3  }
0x34: {  	[smem:$0x3FB0] =	sst s10  }
0x35: {  	s10 =	sld [smem:$0x3FAF];
	_ =	sdelay $0x3  }
0x36: {  	p1 =	seq.s32 s10, $0x1;
	s10 =	sld [smem:$0x3FB0];
	_ =	sdelay $0x3  }
0x37: {  	[smem:$0x3FB0] =	sst s10  }
0x38: {  	s10 =	sld [smem:$0x3FB1]  }
0x39: {  	_ = 	snop;
	(pc) =	sbr.ind lr, $3  }
0x3a: {  	_ = 	snop  }
0x3b: {  	_ = 	snop  }
0x3c: {  	p2 =	seq.s32 s10, $0x1;
	s10 =	sld [smem:$0x3FB0]  }
0x3d: {  	_ =	shalt  }
0x3e: {  	_ =	shalt  }
0x3f: {  	_ =	shalt  }
0x40: {  	_ =	shalt  }
0x41: {  	_ =	shalt  }
0x42: {  	_ =	shalt  }
0x43: {  	_ =	shalt  }
0x44: {  	_ =	shalt  }
0x45: {  	_ =	shalt  }
0x46: {  	_ =	shalt  }
0x47: {  	_ =	shalt  }
0x48: {  	_ =	shalt  }
0x49: {  	_ =	shalt  }
0x4a: {  	_ =	shalt  }
0x4b: {  	_ =	shalt  }
0x4c: {  	_ =	shalt  }
0x4d: {  	_ =	shalt  }
0x4e: {  	_ =	shalt  }
0x4f: {  	_ =	shalt  }
0x50: {  	_ =	shalt  }
0x51: {  	_ =	shalt  }
0x52: {  	_ =	shalt  }
0x53: {  	_ =	shalt  }
0x54: {  	_ =	shalt  }
0x55: {  	_ =	shalt  }
0x56: {  	_ =	shalt  }
0x57: {  	_ =	shalt  }
0x58: {  	_ =	shalt  }
0x59: {  	_ =	shalt  }
0x5a: {  	_ =	shalt  }
0x5b: {  	_ =	shalt  }
0x5c: {  	_ =	shalt  }
0x5d: {  	_ =	shalt  }
0x5e: {  	_ =	shalt  }
0x5f: {  	_ =	shalt  }
0x60: {  	_ =	shalt  }
0x61: {  	_ =	shalt  }
0x62: {  	_ =	shalt  }
0x63: {  	_ =	shalt  }
0x64: {  	_ =	shalt  }
0x65: {  	_ =	shalt  }
0x66: {  	_ =	shalt  }
0x67: {  	_ =	shalt  }
0x68: {  	_ =	shalt  }
0x69: {  	_ =	shalt  }
0x6a: {  	_ =	shalt  }
0x6b: {  	_ =	shalt  }
0x6c: {  	_ =	shalt  }
0x6d: {  	_ =	shalt  }
0x6e: {  	_ =	shalt  }
0x6f: {  	_ =	shalt  }
0x70: {  	_ =	shalt  }
0x71: {  	_ =	shalt  }
0x72: {  	_ =	shalt  }
0x73: {  	_ =	shalt  }
0x74: {  	_ =	shalt  }
0x75: {  	_ =	shalt  }
0x76: {  	_ =	shalt  }
0x77: {  	_ =	shalt  }
0x78: {  	_ =	shalt  }
0x79: {  	_ =	shalt  }
0x7a: {  	_ =	shalt  }
0x7b: {  	_ =	shalt  }
0x7c: {  	_ =	shalt  }
0x7d: {  	_ =	shalt  }
0x7e: {  	_ =	shalt  }
0x7f: {  	_ =	shalt  }
0x80: {  	_ =	shalt  }
0x81: {  	_ =	shalt  }
0x82: {  	_ =	shalt  }
0x83: {  	_ =	shalt  }
0x84: {  	_ =	shalt  }
0x85: {  	_ =	shalt  }
0x86: {  	_ =	shalt  }
0x87: {  	_ =	shalt  }
.Lfunc_end0:
.L_simem_size_0:
called_computation.2_lowered:
.L_overlay_start_0:
0x88: {  	s2 =	sld [smem:$0x3FD9]  }
0x89: {  	s3 =	sld [smem:$0x3FFE];
	_ =	sdelay $0x1  }
0x8a: {  	s1 =	srdreg.scid  }
0x8b: {  	s0 =	sand.u32 $0x1, s1  }
0x8c: {  	s16 =	sshll.u32 s0, $0xA;
	s2 =	sadd.s32 s3, s2  }
0x8d: {  	s2 =	sadd.s32 s2, s16  }
0x8e: {  	[smem:$0x3FBC] =	sst s2  }
0x8f: {  	_ = 	snop  }
0x90: {  	(tm) =	ssettm $0x1  }
0x91: {  	s17 =	sld [smem:$0x3FFB];
	_ =	sdelay $0x3  }
0x92: {  	_ =	strace s17  }
0x93: {  	s2 =	sld [smem:$0x3FFC];
	_ =	sdelay $0x3  }
0x94: {  	_ =	strace s2  }
0x95: {  	s2 =	sld [smem:$0x3FFD];
	_ =	sdelay $0x3  }
0x96: {  	_ =	strace s2  }
0x97: {  	_ =	strace $0x8FFFFFFF  }
0x98: {  	s18 =	sld [smem:$0x3FDB];
	_ =	sdelay $0x1  }
0x99: {  	s19 =	simm.s32 $_scs_section_size  }
0x9a: {  	s4 =	simm.s32 $_size__tile_overlayer_lowered;
	s5 =	simm.s32 $_tile_overlayer_lowered  }
0x9b: {  	s22 =	simm.s32 $0x1BFF;
	s21 =	sshll.u32 s5, $0x1;
	s2 =	sadd.s32 s19, s18  }
0x9c: {  	s6 =	simm.s32 $0x0;
	s20 =	sshll.u32 s4, $0x1;
	s4 =	sadd.s32 s21, s2  }
0x9d: {  	[timem:s6], [sflag:s22] =	dma.local [hbm:s4], s20  }
0x9e: {  	_ =	swait.ge [sflag:s22], s20  }
0x9f: {  	s3 =	ssub.s32 $0x0, s20;
	[sflag:s22] =	ssyncset.done $0x0  }
0xa0: {  	[sflag:s22] =	ssyncadd.s32 s3;
	_ =	sdelay $0x1  }
0xa1: {  	s23 =	simm.s32 $0x1B8B  }
0xa2: {  	_ =	swait.ge [sflag:s23], $0x1  }
0xa3: {  	[sflag:s23] =	ssyncset.done $0x0  }
0xa4: {  	s25 =	simm.s32 $0x1B8E;
	s24 =	sld [smem:$0x3FFE];
	[sflag:s23] =	ssyncadd.s32 $0xFFFFFFFF  }
0xa5: {  	s26 =	simm.s32 $execute0_lowered;
	[smem:$0x3FD2] =	sst s25  }
0xa6: {  	s4 =	sshll.u32 s26, $0x1;
	_ =	strace $0x8000004C;
	[dreg:$0x1] =	wrdreg $0xFFFFFFFF  }
0xa7: {  	s28 =	simm.s32 $_size_execute0_lowered;
	s2 =	sadd.s32 s2, s4;
	[dreg:$0x0] =	wrdreg $0x0  }
0xa8: {  	s4 =	sshll.u32 s28, $0x1;
	[dreg:$0x2] =	wrdreg s2  }
0xa9: {  	[dreg:$0x3] =	wrdreg s4  }
0xaa: {  	[dreg:$0x4] =	wrdreg $0xC0  }
0xab: {  	_ =	task [dreg:s6], $0x5FFFF  }
0xac: {  	[dreg:$0x1] =	wrdreg $0xFFFFFFFF  }
0xad: {  	[dreg:$0x0] =	wrdreg $0x60  }
0xae: {  	[dreg:$0x2] =	wrdreg s24  }
0xaf: {  	[dreg:$0x3] =	wrdreg $0x47400  }
0xb0: {  	[dreg:$0x4] =	wrdreg $0x9  }
0xb1: {  	_ =	task.clear_ibuf [dreg:s6], $0x5FFFF;
	_ =	strace $0x9000004C  }
0xb2: {  	s29 =	simm.s32 $0x9;
	_ =	strace $0x8000004E  }
0xb3: {  	_ =	swait.ge [sflag:s29], $0x1  }
0xb4: {  	[sflag:s29] =	ssyncadd.s32 $0xFFFFFFFF  }
0xb5: {  	_ =	strace $0x9000004E  }
0xb6: {  	_ =	sfence  }
0xb7: {  	s30 =	sld [smem:$0x0];
	_ =	sdelay $0x2  }
0xb8: {  	s31 =	sshll.u32 s1, $0xD;
	s1 =	sshrl.u32 s1, $0x2  }
0xb9: {  	s3 =	sand.u32 $0x4000, s31;
	s1 =	sadd.s32 s1, s30  }
0xba: {  	s0 =	sor.u32 s3, s0;
	s1 =	sshll.u32 s1, $0x11  }
0xbb: {  	s0 =	sor.u32 s1, s0  }
0xbc: {  	s0 =	sadd.s32 $0x8F2B, s0  }
0xbd: {  	[sflag:s0] =	ssyncadd.remote.s32 $0x1  }
0xbe: {  	_ =	sfence.sel $0xFFFF  }
0xbf: {  	[dreg:$0x0] =	wrdreg $0xFFFFFFFF;
	(pc) =	sbr.abs _section_cstart, $3  }
0xc0: {  	[dreg:$0x1] =	wrdreg $0xFFFFFFFF  }
0xc1: {  	_ =	task.clear_ibuf [dreg:s6], $0x2FFFF;
	_ =	strace $0x9FFFFFFF  }
0xc2: {  	(tm) =	ssettm $0x7FFFFFFF  }
0xc3: {  	_ =	shalt  }
tec
execute0_lowered:
.L_overlay_start_1:
0x0: {  	(tag) =	ssettag $0x1  }
0x1: {  	s0 =	srdreg.scid;
	s5 =	rddreg [dreg:$0x0]  }
0x2: {  	s10 =	stileid.u32;
	s1 =	rddreg [dreg:$0x1]  }
0x3: {  	s2 =	simm.s32 $0x0;
	s16 =	simm.s32 $0x2800;
	s17 =	simm.s32 $0x1  }
0x4: {  	s18 =	simm.s32 $0x0;
	s6 =	sand.u32 $0x1, s0;
	s0 =	rddreg [dreg:$0x2]  }
0x5: {  	s28 =	sshll.u32 s10, $0x1;
	[smem:$0x7FF] =	sst s2;
	s9 =	smul.u32 $0x9C00, s10  }
0x6: {  	s4 =	sadd.s32 $0x6400, s5;
	s13 =	sadd.s32 $0x29400, s5;
	s15 =	sadd.s32 $0x9C000, s1  }
0x7: {  	p0 =	sne.s32 s10, $0x0;
	s31 =	sshll.u32 s10, $0x6;
	s10 =	simm.s32 $0x2  }
0x8: {  	s3 =	sor.u32 s6, s28;
	s8 =	ssub.s32 $0x2, s6;
	s12 =	smul.u32 $0x9C400, s6  }
0x9: {  	_ =	strace $0x8000004D;
	s3 =	smul.u32 $0x280, s3;
	s11 =	sshrl.u32 s8, $0x1  }
0xa: {  	s14 =	sadd.s32 s9, s1;
	s11 =	ssub.s32 s8, s11;
	s29 =	sadd.s32 s9, s12  }
0xb: {  	s30 =	sshrl.u32 s12, $0x3;
	s12 =	sor.u32 $0x1C02, s31;
	s7 =	sadd.s32 s3, s5  }
0xc: {  	s3 =	sadd.s32 $0x15A00, s5;
	s8 =	sadd.s32 s13, s30;
	s9 =	smax.u32 s11, $0x1  }
0xd: {  	s5 =	sadd.s32 $0x10A00, s7;
	s6 =	sadd.s32 $0x1400, s7;
	s7 =	sshrl.u32 s29, $0x3  }
0xe: {  	s11 =	simm.s32 $0x1400;
	s8 =	sadd.s32 $0x13800, s8;
	s7 =	sadd.s32 s13, s7  }
0xf: {  	s13 =	sshrl.u32 s14, $0x3;
	s14 =	sshrl.u32 @!p0 s15, $0x3;
	s15 =	simm.s32 $0x7D  }
.LBB2_1:
0x10: {  	[tilespmem:s2], [sflag:$0x2] =	stream.linear.gather [hbm4b:s5+s2], $0x1400, $0x38;
	[tilespmem:$0xE380] =	vst v63  }
0x11: {  	_ =	swait.ge [sflag:s10], $0x1400  }
0x12: {  	[sflag:s10] =	ssyncset.done $0x0  }
0x13: {  	[sflag:s10] =	ssyncadd.s32 $0xFFFFEC00  }
0x14: {  	[tilespmem:s11], [sflag:$0x2] =	stream.linear.gather [hbm4b:s6+s2], $0x1400, $0x38;
	[tilespmem:$0xE380] =	vst v63  }
0x15: {  	_ =	swait.ge [sflag:s10], $0x1400  }
0x16: {  	[sflag:s10] =	ssyncset.done $0x0  }
0x17: {  	[sflag:s10] =	ssyncadd.s32 $0xFFFFEC00  }
0x18: {  	[spmem:s13], [sflag:s12] =	dma.local [hbm:s4], $0x1380  }
0x19: {  	_ =	swait.ge [sflag:s10], $0x1380  }
0x1a: {  	[sflag:s10] =	ssyncset.done $0x0  }
0x1b: {  	s19 =	simm.s32 @!p0 $0x2;
	[sflag:s10] =	ssyncadd.s32 $0xFFFFEC80  }
0x1c: {  	[spmem:s14], [sflag:s12] =	dma.local @!p0 [hbm:s4], $0x80  }
0x1d: {  	_ =	swait.ge @!p0 [sflag:s19], $0x80  }
0x1e: {  	[sflag:s19] =	ssyncset.done @!p0 $0x0  }
0x1f: {  	[sflag:s19] =	ssyncadd.s32 @!p0 $0xFFFFFF80  }
0x20: {  	s30 =	simm.s32 $0x0;
	[bflag:$0x0] =	sbarrier.arrive $0xFFFF  }
0x21: {  	[tilespmem:s16], [sflag:$0x1] =	stream.indirect.gather [hbm4b:s3+s15], $0x40, s30, s15, $0xb8;
	[tilespmem:$0xE380] =	vst v63  }
0x22: {  	_ =	swait.ge [sflag:s17], $0x1F40  }
0x23: {  	[sflag:s17] =	ssyncset.done $0x0  }
0x24: {  	s31 =	simm.s32 $0x1400;
	[sflag:s17] =	ssyncadd.s32 $0xFFFFE0C0  }
0x25: {  	[spmem:s1] =	stream.indirect.scatter.add.f32 [tilespmem:s16], [sflag:$0x2], $0x40, s31, s15, $0xb8;
	[tilespmem:$0xE380] =	vst v63  }
0x26: {  	_ =	swait.ge [sflag:s10], $0x1F40  }
0x27: {  	s20 =	simm.s32 $0x400;
	s19 =	simm.s32 $0x200;
	[sflag:s10] =	ssyncset.done $0x0  }
.LBB2_2:
0x28: {  	s21 =	sshra.s32 s19, $0x2  }
0x29: {  	[sflag:s10] =	ssyncadd.s32 $0xFFFFE0C0;
	s19 =	smov.u32 s20;
	s22 =	sadd.s32 $0x200, s20  }
0x2a: {  	[tilespmem:s16], [sflag:$0x1] =	stream.indirect.gather [hbm4b:s3+s15], $0x40, s21, s15, $0xb8;
	[tilespmem:$0xE380] =	vst v63  }
0x2b: {  	p1 =	sne.s32 s20, $0x4E00;
	_ =	swait.ge [sflag:s17], $0x1F40  }
.Ltmp0:
0x2c: {  	[sflag:s17] =	ssyncset.done $0x0;
	(pc) =	sbr.rel @p1 .LBB2_2-.Ltmp0, $4  }
0x2d: {  	s20 =	sadd.s32 $0x1400, s21;
	[sflag:s17] =	ssyncadd.s32 $0xFFFFE0C0  }
0x2e: {  	[spmem:s1] =	stream.indirect.scatter.add.f32 [tilespmem:s16], [sflag:$0x2], $0x40, s20, s15, $0xb8;
	[tilespmem:$0xE380] =	vst v63  }
0x2f: {  	_ =	swait.ge [sflag:s10], $0x1F40  }
0x30: {  	s20 =	smov.u32 s22;
	[sflag:s10] =	ssyncset.done $0x0  }
0x31: {  	s19 =	sshra.s32 s19, $0x2;
	[sflag:s10] =	ssyncadd.s32 $0xFFFFE0C0  }
0x32: {  	[tilespmem:s16], [sflag:$0x1] =	stream.indirect.gather [hbm4b:s3+s15], $0x40, s19, s15, $0xb8;
	[tilespmem:$0xE380] =	vst v63  }
0x33: {  	_ =	swait.ge [sflag:s17], $0x1F40  }
0x34: {  	[sflag:s17] =	ssyncset.done $0x0  }
0x35: {  	s19 =	sadd.s32 $0x1400, s19;
	[sflag:s17] =	ssyncadd.s32 $0xFFFFE0C0  }
0x36: {  	[spmem:s1] =	stream.indirect.scatter.add.f32 [tilespmem:s16], [sflag:$0x2], $0x40, s19, s15, $0xb8;
	[tilespmem:$0xE380] =	vst v63  }
0x37: {  	_ =	swait.ge [sflag:s10], $0x1F40  }
0x38: {  	[sflag:s10] =	ssyncset.done $0x0  }
0x39: {  	[sflag:s10] =	ssyncadd.s32 $0xFFFFE0C0  }
0x3a: {  	[bflag:$0x0] =	sbarrier.arrive $0xFFFF  }
0x3b: {  	[hbm:s7], [sflag:s12] =	dma.local [spmem:s13], $0x1380  }
0x3c: {  	s18 =	sadd.s32 $0x1, s18;
	_ =	swait.ge [sflag:s10], $0x1380  }
0x3d: {  	p1 =	sne.s32 s18, s9;
	[sflag:s10] =	ssyncset.done $0x0  }
.Ltmp1:
0x3e: {  	s19 =	simm.s32 @!p0 $0x2;
	[sflag:s10] =	ssyncadd.s32 $0xFFFFEC80;
	(pc) =	sbr.rel @p1 .LBB2_1-.Ltmp1, $4  }
0x3f: {  	[hbm:s8], [sflag:s12] =	dma.local @!p0 [spmem:s14], $0x80  }
0x40: {  	_ =	swait.ge @!p0 [sflag:s19], $0x80  }
0x41: {  	[sflag:s19] =	ssyncset.done @!p0 $0x0  }
0x42: {  	[sflag:s19] =	ssyncadd.s32 @!p0 $0xFFFFFF80  }
0x43: {  	_ =	sfence.sel $0x180000  }
0x44: {  	[bflag:$0x0] =	sbarrier.arrive $0xFFFF  }
0x45: {  	_ =	strace $0x9000004D  }
0x46: {  	s0 =	sadd.s32 @!p0 $0x100000, s0;
	[bflag:$0x2] =	sbarrier.arrive $0xFFFF  }
0x47: {  	[sflag:s0] =	ssyncadd.tile.s32 @!p0 $0x1;
	_ =	shalt  }
.Lfunc_end2:
_tile_overlayer_lowered:
.L_overlay_start_2:
0x48: {  	(tag) =	ssettag $0x2  }
0x49: {  	s0 =	rddreg [dreg:$0x0];
	s2 =	stileid.u32  }
0x4a: {  	s1 =	rddreg [dreg:$0x1];
	p0 =	sne.s32 s2, $0x0  }
0x4b: {  	s3 =	rddreg [dreg:$0x2];
	[bflag:$0x3] =	sbarrier.arrive $0xFFFF;
	s2 =	simm.s32 @!p0 $0x1C02  }
0x4c: {  	[timem:s3], [sflag:s2] =	dma.local @!p0 [hbm:s0], s1  }
0x4d: {  	s0 =	simm.s32 @!p0 $0x2  }
0x4e: {  	_ =	swait.ge @!p0 [sflag:s0], s1  }
0x4f: {  	s1 =	ssub.s32 @!p0 $0x0, s1;
	[sflag:s0] =	ssyncset.done @!p0 $0x0  }
0x50: {  	[sflag:s0] =	ssyncadd.s32 @!p0 s1  }
0x51: {  	[bflag:$0x3] =	sbarrier.arrive $0xFFFF  }
0x52: {  	_ =	shalt  }

// kernel: kernel.9.cloned.1.call-start
scs
__scs_entry_jumppad:
0x0: {  	(pc) =	sbr.rel $0x88, $3  }
0x1: {  	(tag) =	ssettag $0x0;
	lr =	simm.s32 $0x1  }
0x2: {  	[smem:$0x3F95] =	sst lr;
	_ =	strace $0xD0000000  }
0x3: {  	_ = 	snop  }
0x4: {  	_ = 	snop  }
0x5: {  	_ = 	snop  }
0x6: {  	_ = 	snop  }
0x7: {  	_ = 	snop  }
__scs_overlays_trampoline_lowered:
0x8: {  	[smem:$0x3FA4] =	sst s0  }
0x9: {  	[smem:$0x3FA5] =	sst s1  }
0xa: {  	[smem:$0x3FA6] =	sst s2  }
0xb: {  	[smem:$0x3FA7] =	sst s3  }
0xc: {  	[smem:$0x3FA8] =	sst s4  }
0xd: {  	[smem:$0x3FA9] =	sst s5  }
0xe: {  	[smem:$0x3FAA] =	sst s6  }
0xf: {  	[smem:$0x3FAB] =	sst s7  }
0x10: {  	[smem:$0x3FAC] =	sst s8  }
0x11: {  	[smem:$0x3FAD] =	sst s9;
	s0 =	simm.s32 @!p0 $0x0  }
0x12: {  	s1 =	sld [smem:$0x3F93];
	s0 =	simm.s32 @p0 $0x1  }
0x13: {  	[smem:$0x3FAE] =	sst s0;
	s0 =	simm.s32 @!p1 $0x0  }
0x14: {  	s2 =	sld [smem:$0x3F92];
	s0 =	simm.s32 @p1 $0x1  }
0x15: {  	[smem:$0x3FAF] =	sst s0;
	s0 =	simm.s32 @!p2 $0x0  }
0x16: {  	s3 =	sld [smem:$0x3FDB];
	s0 =	simm.s32 @p2 $0x1  }
0x17: {  	s4 =	simm.s32 $0x1BF5;
	[smem:$0x3FB1] =	sst s0  }
0x18: {  	s0 =	sld [smem:$0x3F94];
	_ =	swait.ge [sflag:s4], $0x0  }
0x19: {  	s7 =	sld [smem:$0x3F95]  }
0x1a: {  	s8 =	sadd.s32 $0xFFFFE003, lr  }
0x1b: {  	s9 =	sadd.s32 $0xFFFFFEF7, lr;
	s5 =	simm.s32 $0xFFFFFFFF;
	p2 =	slt.u32 s8, $0xFFFFF086  }
0x1c: {  	p1 =	slt.u32 s9, $0xF7A;
	s5 =	simm.s32 @!p2 $0x0  }
0x1d: {  	s5 =	simm.s32 @p1 $0x1;
	p0 =	seq.s32 s7, s2  }
0x1e: {  	s7 =	smul.u32 @!p0 $0xF7A, s2;
	p2 =	seq.s32 @!p0 s5, $0x0  }
0x1f: {  	s9 =	smul.u32 $0xF7A, s1;
	s8 =	simm.s32 @!p0 $0x1BF5;
	p2 =	por !p2, p0  }
0x20: {  	[sflag:s8] =	ssyncset.s32 @!p0 $0xFFFFF086;
	s6 =	sadd.s32 @!p0 s3, s7;
	s7 =	simm.s32 @!p0 $0x108  }
0x21: {  	s3 =	sadd.s32 s3, s9;
	s6 =	sadd.s32 @!p0 $0x88, s6;
	s7 =	simm.s32 @p2 $0x1082  }
0x22: {  	[simem:s7], [sflag:s8] =	dma.local @!p0 [hbm:s6], $0xF7A  }
0x23: {  	s9 =	sor.u32 $0xD0000000, s2;
	s6 =	simm.s32 $0x108;
	_ =	swait.ge @!p0 [sflag:s8], $0x0  }
0x24: {  	s3 =	sadd.s32 $0x88, s3;
	s6 =	simm.s32 @!p1 $0x1082;
	[sflag:s4] =	ssyncset.s32 $0xFFFFF086  }
0x25: {  	[simem:s6], [sflag:s4] =	dma.local [hbm:s3], $0xF7A  }
0x26: {  	[smem:$0x3F95] =	sst s1;
	(tag) =	ssettag s2;
	_ =	strace s9  }
0x27: {  	s1 =	sld [smem:$0x3FA5]  }
0x28: {  	s2 =	sld [smem:$0x3FA6]  }
0x29: {  	s4 =	sld [smem:$0x3FA8]  }
0x2a: {  	p0 =	seq.s32 s5, $0x0;
	s5 =	sld [smem:$0x3FA9]  }
0x2b: {  	s6 =	sld [smem:$0x3FAA]  }
0x2c: {  	s7 =	sld [smem:$0x3FAB]  }
0x2d: {  	s3 =	simm.s32 $0x108;
	s8 =	sld [smem:$0x3FAC]  }
0x2e: {  	s3 =	simm.s32 @!p0 $0x1082;
	s9 =	sld [smem:$0x3FAD]  }
0x2f: {  	lr =	sadd.s32 s0, s3;
	s0 =	sld [smem:$0x3FA4]  }
0x30: {  	s3 =	sld [smem:$0x3FA7]  }
0x31: {  	[smem:$0x3FB0] =	sst s10  }
0x32: {  	s10 =	sld [smem:$0x3FAE];
	_ =	sdelay $0x3  }
0x33: {  	p0 =	seq.s32 s10, $0x1;
	s10 =	sld [smem:$0x3FB0];
	_ =	sdelay $0x3  }
0x34: {  	[smem:$0x3FB0] =	sst s10  }
0x35: {  	s10 =	sld [smem:$0x3FAF];
	_ =	sdelay $0x3  }
0x36: {  	p1 =	seq.s32 s10, $0x1;
	s10 =	sld [smem:$0x3FB0];
	_ =	sdelay $0x3  }
0x37: {  	[smem:$0x3FB0] =	sst s10  }
0x38: {  	s10 =	sld [smem:$0x3FB1]  }
0x39: {  	_ = 	snop;
	(pc) =	sbr.ind lr, $3  }
0x3a: {  	_ = 	snop  }
0x3b: {  	_ = 	snop  }
0x3c: {  	p2 =	seq.s32 s10, $0x1;
	s10 =	sld [smem:$0x3FB0]  }
0x3d: {  	_ =	shalt  }
0x3e: {  	_ =	shalt  }
0x3f: {  	_ =	shalt  }
0x40: {  	_ =	shalt  }
0x41: {  	_ =	shalt  }
0x42: {  	_ =	shalt  }
0x43: {  	_ =	shalt  }
0x44: {  	_ =	shalt  }
0x45: {  	_ =	shalt  }
0x46: {  	_ =	shalt  }
0x47: {  	_ =	shalt  }
0x48: {  	_ =	shalt  }
0x49: {  	_ =	shalt  }
0x4a: {  	_ =	shalt  }
0x4b: {  	_ =	shalt  }
0x4c: {  	_ =	shalt  }
0x4d: {  	_ =	shalt  }
0x4e: {  	_ =	shalt  }
0x4f: {  	_ =	shalt  }
0x50: {  	_ =	shalt  }
0x51: {  	_ =	shalt  }
0x52: {  	_ =	shalt  }
0x53: {  	_ =	shalt  }
0x54: {  	_ =	shalt  }
0x55: {  	_ =	shalt  }
0x56: {  	_ =	shalt  }
0x57: {  	_ =	shalt  }
0x58: {  	_ =	shalt  }
0x59: {  	_ =	shalt  }
0x5a: {  	_ =	shalt  }
0x5b: {  	_ =	shalt  }
0x5c: {  	_ =	shalt  }
0x5d: {  	_ =	shalt  }
0x5e: {  	_ =	shalt  }
0x5f: {  	_ =	shalt  }
0x60: {  	_ =	shalt  }
0x61: {  	_ =	shalt  }
0x62: {  	_ =	shalt  }
0x63: {  	_ =	shalt  }
0x64: {  	_ =	shalt  }
0x65: {  	_ =	shalt  }
0x66: {  	_ =	shalt  }
0x67: {  	_ =	shalt  }
0x68: {  	_ =	shalt  }
0x69: {  	_ =	shalt  }
0x6a: {  	_ =	shalt  }
0x6b: {  	_ =	shalt  }
0x6c: {  	_ =	shalt  }
0x6d: {  	_ =	shalt  }
0x6e: {  	_ =	shalt  }
0x6f: {  	_ =	shalt  }
0x70: {  	_ =	shalt  }
0x71: {  	_ =	shalt  }
0x72: {  	_ =	shalt  }
0x73: {  	_ =	shalt  }
0x74: {  	_ =	shalt  }
0x75: {  	_ =	shalt  }
0x76: {  	_ =	shalt  }
0x77: {  	_ =	shalt  }
0x78: {  	_ =	shalt  }
0x79: {  	_ =	shalt  }
0x7a: {  	_ =	shalt  }
0x7b: {  	_ =	shalt  }
0x7c: {  	_ =	shalt  }
0x7d: {  	_ =	shalt  }
0x7e: {  	_ =	shalt  }
0x7f: {  	_ =	shalt  }
0x80: {  	_ =	shalt  }
0x81: {  	_ =	shalt  }
0x82: {  	_ =	shalt  }
0x83: {  	_ =	shalt  }
0x84: {  	_ =	shalt  }
0x85: {  	_ =	shalt  }
0x86: {  	_ =	shalt  }
0x87: {  	_ =	shalt  }
.Lfunc_end0:
.L_simem_size_0:
called_computation_lowered:
.L_overlay_start_0:
0x88: {  	s2 =	sld [smem:$0x3FD9]  }
0x89: {  	s3 =	sld [smem:$0x3FFE];
	_ =	sdelay $0x1  }
0x8a: {  	s1 =	srdreg.scid  }
0x8b: {  	s0 =	sand.u32 $0x1, s1  }
0x8c: {  	s16 =	sshll.u32 s0, $0xA;
	s2 =	sadd.s32 s3, s2  }
0x8d: {  	s2 =	sadd.s32 s2, s16  }
0x8e: {  	[smem:$0x3FBC] =	sst s2  }
0x8f: {  	_ = 	snop  }
0x90: {  	(tm) =	ssettm $0x1  }
0x91: {  	s17 =	sld [smem:$0x3FFB];
	_ =	sdelay $0x3  }
0x92: {  	_ =	strace s17  }
0x93: {  	s2 =	sld [smem:$0x3FFC];
	_ =	sdelay $0x3  }
0x94: {  	_ =	strace s2  }
0x95: {  	s2 =	sld [smem:$0x3FFD];
	_ =	sdelay $0x3  }
0x96: {  	_ =	strace s2  }
0x97: {  	_ =	strace $0x8FFFFFFF  }
0x98: {  	s18 =	sld [smem:$0x3FDB];
	_ =	sdelay $0x1  }
0x99: {  	s19 =	simm.s32 $_scs_section_size  }
0x9a: {  	s4 =	simm.s32 $_size__tile_overlayer_lowered;
	s5 =	simm.s32 $_tile_overlayer_lowered  }
0x9b: {  	s22 =	simm.s32 $0x1BFF;
	s21 =	sshll.u32 s5, $0x1;
	s2 =	sadd.s32 s19, s18  }
0x9c: {  	s6 =	simm.s32 $0x0;
	s20 =	sshll.u32 s4, $0x1;
	s4 =	sadd.s32 s21, s2  }
0x9d: {  	[timem:s6], [sflag:s22] =	dma.local [hbm:s4], s20  }
0x9e: {  	_ =	swait.ge [sflag:s22], s20  }
0x9f: {  	s3 =	ssub.s32 $0x0, s20;
	[sflag:s22] =	ssyncset.done $0x0  }
0xa0: {  	[sflag:s22] =	ssyncadd.s32 s3;
	_ =	sdelay $0x1  }
0xa1: {  	s23 =	simm.s32 $0x1B8B  }
0xa2: {  	_ =	swait.ge [sflag:s23], $0x1  }
0xa3: {  	[sflag:s23] =	ssyncset.done $0x0  }
0xa4: {  	s25 =	simm.s32 $0x1B8E;
	s24 =	sld [smem:$0x3FFE];
	[sflag:s23] =	ssyncadd.s32 $0xFFFFFFFF  }
0xa5: {  	s26 =	simm.s32 $execute0_lowered;
	[smem:$0x3FD2] =	sst s25  }
0xa6: {  	s4 =	sshll.u32 s26, $0x1;
	_ =	strace $0x80000046;
	[dreg:$0x1] =	wrdreg $0xFFFFFFFF  }
0xa7: {  	s28 =	simm.s32 $_size_execute0_lowered;
	s2 =	sadd.s32 s2, s4;
	[dreg:$0x0] =	wrdreg $0x0  }
0xa8: {  	s4 =	sshll.u32 s28, $0x1;
	[dreg:$0x2] =	wrdreg s2  }
0xa9: {  	[dreg:$0x3] =	wrdreg s4  }
0xaa: {  	[dreg:$0x4] =	wrdreg $0xC0  }
0xab: {  	_ =	task [dreg:s6], $0x5FFFF  }
0xac: {  	[dreg:$0x1] =	wrdreg $0xFFFFFFFF  }
0xad: {  	[dreg:$0x0] =	wrdreg $0x60  }
0xae: {  	[dreg:$0x2] =	wrdreg s24  }
0xaf: {  	[dreg:$0x3] =	wrdreg $0x1BD00  }
0xb0: {  	[dreg:$0x4] =	wrdreg $0x9  }
0xb1: {  	_ =	task.clear_ibuf [dreg:s6], $0x5FFFF;
	_ =	strace $0x90000046  }
0xb2: {  	s29 =	simm.s32 $0x9;
	_ =	strace $0x80000048  }
0xb3: {  	_ =	swait.ge [sflag:s29], $0x1  }
0xb4: {  	[sflag:s29] =	ssyncadd.s32 $0xFFFFFFFF  }
0xb5: {  	_ =	strace $0x90000048  }
0xb6: {  	_ =	sfence  }
0xb7: {  	s30 =	sld [smem:$0x0];
	_ =	sdelay $0x2  }
0xb8: {  	s31 =	sshll.u32 s1, $0xD;
	s1 =	sshrl.u32 s1, $0x2  }
0xb9: {  	s3 =	sand.u32 $0x4000, s31;
	s1 =	sadd.s32 s1, s30  }
0xba: {  	s0 =	sor.u32 s3, s0;
	s1 =	sshll.u32 s1, $0x11  }
0xbb: {  	s0 =	sor.u32 s1, s0  }
0xbc: {  	s0 =	sadd.s32 $0x8F2B, s0  }
0xbd: {  	[sflag:s0] =	ssyncadd.remote.s32 $0x1  }
0xbe: {  	_ =	sfence.sel $0xFFFF  }
0xbf: {  	[dreg:$0x0] =	wrdreg $0xFFFFFFFF;
	(pc) =	sbr.abs _section_cstart, $3  }
0xc0: {  	[dreg:$0x1] =	wrdreg $0xFFFFFFFF  }
0xc1: {  	_ =	task.clear_ibuf [dreg:s6], $0x2FFFF;
	_ =	strace $0x9FFFFFFF  }
0xc2: {  	(tm) =	ssettm $0x7FFFFFFF  }
0xc3: {  	_ =	shalt  }
tec
execute0_lowered:
.L_overlay_start_1:
0x0: {  	(tag) =	ssettag $0x1  }
0x1: {  	s0 =	srdreg.scid;
	s5 =	rddreg [dreg:$0x0]  }
0x2: {  	s10 =	stileid.u32;
	s1 =	rddreg [dreg:$0x1]  }
0x3: {  	s2 =	simm.s32 $0x0;
	s6 =	sand.u32 $0x1, s0;
	s0 =	rddreg [dreg:$0x2]  }
0x4: {  	s15 =	simm.s32 $0x0;
	s28 =	sshll.u32 s10, $0x1;
	[smem:$0x7FF] =	sst s2  }
0x5: {  	s9 =	smul.u32 $0x2700, s10;
	s4 =	sadd.s32 $0x6400, s5;
	s12 =	sadd.s32 $0x6C00, s5  }
0x6: {  	s14 =	sadd.s32 $0x27000, s1;
	p0 =	sne.s32 s10, $0x0;
	s31 =	sshll.u32 s10, $0x6  }
0x7: {  	s10 =	simm.s32 $0x1400;
	s3 =	sor.u32 s6, s28;
	s8 =	ssub.s32 $0x2, s6  }
0x8: {  	_ =	strace $0x80000047;
	s6 =	smul.u32 $0x27100, s6;
	s11 =	sshrl.u32 s8, $0x1  }
0x9: {  	s3 =	smul.u32 $0x280, s3;
	s13 =	sadd.s32 s9, s1;
	s8 =	ssub.s32 s8, s11  }
0xa: {  	s29 =	sadd.s32 s9, s6;
	s6 =	sshrl.u32 s6, $0x3;
	s9 =	simm.s32 $0x1  }
0xb: {  	s11 =	sor.u32 $0x1C01, s31;
	s7 =	sadd.s32 s3, s5;
	s3 =	sadd.s32 $0x6A00, s5  }
0xc: {  	s30 =	sadd.s32 s12, s6;
	s5 =	sadd.s32 $0x1400, s7;
	s7 =	sshrl.u32 s29, $0x3  }
0xd: {  	s8 =	smax.u32 s8, $0x1;
	s6 =	sadd.s32 s12, s7;
	s7 =	sadd.s32 $0x4E00, s30  }
0xe: {  	s12 =	sshrl.u32 s13, $0x3;
	s13 =	sshrl.u32 @!p0 s14, $0x3;
	s14 =	simm.s32 $0x7D  }
.LBB2_1:
0xf: {  	[tilespmem:s2], [sflag:$0x1] =	stream.linear.gather [hbm4b:s5+s2], $0x1400, $0x38;
	[tilespmem:$0x42E0] =	vst v63  }
0x10: {  	_ =	swait.ge [sflag:s9], $0x1400  }
0x11: {  	[sflag:s9] =	ssyncset.done $0x0  }
0x12: {  	[sflag:s9] =	ssyncadd.s32 $0xFFFFEC00  }
0x13: {  	[tilespmem:s10], [sflag:$0x1] =	stream.linear.gather [hbm4b:s3+s2], $0x7D0, $0x38;
	[tilespmem:$0x42E0] =	vst v63  }
0x14: {  	_ =	swait.ge [sflag:s9], $0x7D0  }
0x15: {  	[sflag:s9] =	ssyncset.done $0x0  }
0x16: {  	[sflag:s9] =	ssyncadd.s32 $0xFFFFF830  }
0x17: {  	[spmem:s12], [sflag:s11] =	dma.local [hbm:s4], $0x4E0  }
0x18: {  	_ =	swait.ge [sflag:s9], $0x4E0  }
0x19: {  	[sflag:s9] =	ssyncset.done $0x0  }
0x1a: {  	s16 =	simm.s32 @!p0 $0x1;
	[sflag:s9] =	ssyncadd.s32 $0xFFFFFB20  }
0x1b: {  	[spmem:s13], [sflag:s11] =	dma.local @!p0 [hbm:s4], $0x20  }
0x1c: {  	_ =	swait.ge @!p0 [sflag:s16], $0x20  }
0x1d: {  	[sflag:s16] =	ssyncset.done @!p0 $0x0  }
0x1e: {  	[sflag:s16] =	ssyncadd.s32 @!p0 $0xFFFFFFE0  }
0x1f: {  	s31 =	simm.s32 $0x0;
	[bflag:$0x0] =	sbarrier.arrive $0xFFFF  }
0x20: {  	[spmem:s1] =	stream.indirect.scatter.add.f32 [tilespmem:s10], [sflag:$0x1], $0x10, s31, s14, $0xb8;
	[tilespmem:$0x42E0] =	vst v63  }
0x21: {  	_ =	swait.ge [sflag:s9], $0x7D0  }
0x22: {  	s16 =	simm.s32 $0x200;
	[sflag:s9] =	ssyncset.done $0x0  }
.LBB2_2:
0x23: {  	s17 =	sshra.s32 s16, $0x2;
	[sflag:s9] =	ssyncadd.s32 $0xFFFFF830;
	p1 =	sne.s32 s16, $0x4E00  }
0x24: {  	[spmem:s1] =	stream.indirect.scatter.add.f32 [tilespmem:s10], [sflag:$0x1], $0x10, s17, s14, $0xb8;
	[tilespmem:$0x42E0] =	vst v63  }
.Ltmp0:
0x25: {  	_ = 	snop;
	(pc) =	sbr.rel @p1 .LBB2_2-.Ltmp0, $4  }
0x26: {  	_ = 	snop  }
0x27: {  	s16 =	sadd.s32 $0x200, s16  }
0x28: {  	_ =	swait.ge [sflag:s9], $0x7D0  }
0x29: {  	[sflag:s9] =	ssyncset.done $0x0  }
0x2a: {  	[sflag:s9] =	ssyncadd.s32 $0xFFFFF830  }
0x2b: {  	[bflag:$0x0] =	sbarrier.arrive $0xFFFF  }
0x2c: {  	[hbm:s6], [sflag:s11] =	dma.local [spmem:s12], $0x4E0  }
0x2d: {  	s15 =	sadd.s32 $0x1, s15;
	_ =	swait.ge [sflag:s9], $0x4E0  }
0x2e: {  	p1 =	sne.s32 s15, s8;
	[sflag:s9] =	ssyncset.done $0x0  }
.Ltmp1:
0x2f: {  	s16 =	simm.s32 @!p0 $0x1;
	[sflag:s9] =	ssyncadd.s32 $0xFFFFFB20;
	(pc) =	sbr.rel @p1 .LBB2_1-.Ltmp1, $4  }
0x30: {  	[hbm:s7], [sflag:s11] =	dma.local @!p0 [spmem:s13], $0x20  }
0x31: {  	_ =	swait.ge @!p0 [sflag:s16], $0x20  }
0x32: {  	[sflag:s16] =	ssyncset.done @!p0 $0x0  }
0x33: {  	[sflag:s16] =	ssyncadd.s32 @!p0 $0xFFFFFFE0  }
0x34: {  	_ =	sfence.sel $0x180000  }
0x35: {  	[bflag:$0x0] =	sbarrier.arrive $0xFFFF  }
0x36: {  	_ =	strace $0x90000047  }
0x37: {  	s0 =	sadd.s32 @!p0 $0x100000, s0;
	[bflag:$0x2] =	sbarrier.arrive $0xFFFF  }
0x38: {  	[sflag:s0] =	ssyncadd.tile.s32 @!p0 $0x1;
	_ =	shalt  }
.Lfunc_end2:
_tile_overlayer_lowered:
.L_overlay_start_2:
0x39: {  	(tag) =	ssettag $0x2  }
0x3a: {  	s0 =	rddreg [dreg:$0x0];
	s2 =	stileid.u32  }
0x3b: {  	s1 =	rddreg [dreg:$0x1];
	p0 =	sne.s32 s2, $0x0  }
0x3c: {  	s3 =	rddreg [dreg:$0x2];
	[bflag:$0x3] =	sbarrier.arrive $0xFFFF;
	s2 =	simm.s32 @!p0 $0x1C01  }
0x3d: {  	[timem:s3], [sflag:s2] =	dma.local @!p0 [hbm:s0], s1  }
0x3e: {  	s0 =	simm.s32 @!p0 $0x1  }
0x3f: {  	_ =	swait.ge @!p0 [sflag:s0], s1  }
0x40: {  	s1 =	ssub.s32 @!p0 $0x0, s1;
	[sflag:s0] =	ssyncset.done @!p0 $0x0  }
0x41: {  	[sflag:s0] =	ssyncadd.s32 @!p0 s1  }
0x42: {  	[bflag:$0x3] =	sbarrier.arrive $0xFFFF  }
0x43: {  	_ =	shalt  }

</sc_bundles>
